<compile_context>
chip_gen: v7x
topology: tpu7x:2x2x1
jax: 0.10.2.dev20260603
libtpu: 0.0.44.dev20260713+nightly
codegen_flags: <defaults>
</compile_context>

<pallas_src>
import functools

import jax
import jax.numpy as jnp
from jax import lax
from jax.experimental import pallas as pl
from jax.experimental.pallas import tpu as pltpu
from jax.experimental.pallas import tpu_sc as plsc

_N = 4096 * 4096
_NC = 2
_NS = 16
_NW = _NC * _NS
_L = 16
_PER_W = _N // _NW
_SLAB_R = 8
_SLAB_C = 2048
_SLAB_ELEMS = _SLAB_R * _SLAB_C
_SLABS_PER_W = _PER_W // _SLAB_ELEMS
_SLABS_PER_ROWBAND = 4096 // _SLAB_C


def _make_hist16_kernel(top):
    nbins = 65536
    mesh = plsc.VectorSubcoreMesh(core_axis_name="c", subcore_axis_name="s")

    @functools.partial(
        pl.kernel,
        mesh=mesh,
        compiler_params=pltpu.CompilerParams(needs_layout_passes=False),
        out_type=jax.ShapeDtypeStruct((_NW, nbins), jnp.int32),
        scratch_types=[
            pltpu.VMEM((_SLAB_R, _SLAB_C), jnp.float32),
            pltpu.VMEM((_SLAB_R, _SLAB_C), jnp.float32),
            pltpu.VMEM((nbins,), jnp.int32),
            pltpu.VMEM((_L,), jnp.uint32),
            pltpu.SemaphoreType.DMA,
            pltpu.SemaphoreType.DMA,
        ],
    )
    def hist_kernel(scores_hbm, prefix_hbm, out_hbm, buf0, buf1, hist,
                    pref_v, sem0, sem1):
        wid = lax.axis_index("s") * _NC + lax.axis_index("c")

        def slab_src(l):
            g = wid * _SLABS_PER_W + l
            r0 = (g // _SLABS_PER_ROWBAND) * _SLAB_R
            c0 = (g % _SLABS_PER_ROWBAND) * _SLAB_C
            return scores_hbm.at[pl.ds(r0, _SLAB_R), pl.ds(c0, _SLAB_C)]

        pltpu.make_async_copy(slab_src(0), buf0, sem0).start()
        pltpu.make_async_copy(slab_src(1), buf1, sem1).start()

        zeros = jnp.zeros((_L,), jnp.int32)

        @plsc.parallel_loop(0, nbins // _L, unroll=8)
        def _zero(i):
            hist[pl.ds(i * _L, _L)] = zeros

        pltpu.sync_copy(prefix_hbm, pref_v)
        pv = pref_v[...]
        ones = jnp.ones((_L,), jnp.int32)

        def process(buf):
            @plsc.parallel_loop(0, _SLAB_ELEMS // _L, unroll=16)
            def _body(j):
                r = lax.shift_right_logical(j, 7)
                c = (j & (_SLAB_C // _L - 1)) * _L
                v = buf[r, pl.ds(c, _L)]
                bu = lax.bitcast_convert_type(v, jnp.uint32)
                if top:
                    bucket = lax.shift_right_logical(bu, jnp.uint32(16))
                    m = (bu & jnp.uint32(0)) == pv
                else:
                    bucket = bu & jnp.uint32(0xFFFF)
                    m = (bu & jnp.uint32(0xFFFF0000)) == pv
                idx = lax.bitcast_convert_type(bucket, jnp.int32)
                plsc.addupdate_scatter(hist, [idx], ones, mask=m)

        last_slab = _SLABS_PER_W - 1

        def pair(p, _):
            l0 = 2 * p
            pltpu.make_async_copy(slab_src(l0), buf0, sem0).wait()
            process(buf0)
            pltpu.make_async_copy(
                slab_src(jnp.minimum(l0 + 2, last_slab)), buf0, sem0).start()
            pltpu.make_async_copy(slab_src(l0 + 1), buf1, sem1).wait()
            process(buf1)
            pltpu.make_async_copy(
                slab_src(jnp.minimum(l0 + 3, last_slab)), buf1, sem1).start()
            return 0

        lax.fori_loop(0, _SLABS_PER_W // 2, pair, 0)
        pltpu.make_async_copy(slab_src(last_slab), buf0, sem0).wait()
        pltpu.make_async_copy(slab_src(last_slab), buf1, sem1).wait()

        pltpu.sync_copy(hist, out_hbm.at[wid])

    return hist_kernel


_hist16_hi = _make_hist16_kernel(True)
_hist16_lo = _make_hist16_kernel(False)


def _pick(h, rank):
    c = jnp.cumsum(h)
    b = jnp.argmax(c >= rank)
    within = rank - (c[b] - h[b])
    return b, within


def _apply_body(thr_ref, w_ref, s_ref, o_ref):
    thr = thr_ref[0, 0]
    o_ref[...] = jnp.where(s_ref[...] < thr, jnp.float32(0.0), w_ref[...])


_apply = pl.pallas_call(
    _apply_body,
    grid=(16,),
    in_specs=[
        pl.BlockSpec(memory_space=pltpu.SMEM),
        pl.BlockSpec((256, 4096), lambda i: (i, 0)),
        pl.BlockSpec((256, 4096), lambda i: (i, 0)),
    ],
    out_specs=pl.BlockSpec((256, 4096), lambda i: (i, 0)),
    out_shape=jax.ShapeDtypeStruct((4096, 4096), jnp.float32),
)


def kernel(weight, scores):
    n = scores.size
    k = jnp.int32(int(1 + round(0.9 * (n - 1))))

    h_raw = _hist16_hi(scores, jnp.zeros((_L,), jnp.uint32)).sum(axis=0)
    h_key = jnp.concatenate([h_raw[32768:][::-1], h_raw[:32768]])
    b1, r1 = _pick(h_key, k)
    neg = b1 < 32768
    r1raw = jnp.where(neg, 65535 - b1, b1 - 32768)
    p1 = r1raw.astype(jnp.uint32) << 16

    h2 = _hist16_lo(scores, jnp.broadcast_to(p1, (_L,))).sum(axis=0)
    b2, _ = _pick(jnp.where(neg, h2[::-1], h2), r1)
    lowraw = jnp.where(neg, 65535 - b2, b2)

    bits = p1 | lowraw.astype(jnp.uint32)
    thr = lax.bitcast_convert_type(bits, jnp.float32)

    return _apply(thr.reshape(1, 1), weight, scores)

# --- scband reference (transcript-rebuilt; emitter-appended) ---
"""Pipeline reference for scband-top-kmask-35064113004587 (READ-ONLY COPY).

The authoritative reference and input builder live on the scoring server;
editing this copy changes nothing except your own understanding.
"""

import jax, jax.numpy as jnp
import numpy as np

SPARSITY = 0.9

def percentile(scores, sparsity):
    # torch: k = int(1 + round(sparsity * (numel - 1))); kthvalue is 1-indexed k-th smallest
    n = scores.size
    k = int(1 + round(sparsity * (n - 1)))
    return jnp.sort(scores.ravel())[k - 1]

def setup_inputs(seed: int = 0) -> dict:
    key = jax.random.key(seed)
    k1, k2 = jax.random.split(key)
    weight = jax.random.normal(k1, (4096, 4096), dtype=jnp.float32)
    # self.scores = weight.clone() at init; materialized as an independent param here
    scores = jax.random.normal(k2, (4096, 4096), dtype=jnp.float32)
    return {"weight": weight, "scores": scores}

def reference(weight, scores):
    thr = percentile(scores, SPARSITY)
    zeros = jnp.zeros_like(scores)
    ones = jnp.ones_like(scores)
    mask = jnp.where(scores < thr, zeros, ones)
    return weight * mask

if __name__ == "__main__":
    import jax
    _d = setup_inputs()
    print(jax.jit(kernel)(*tuple(_d.values())))

</pallas_src>

<mosaic_0001>
#map = affine_map<(d0, d1) -> (0, 0)>
#map1 = affine_map<(d0, d1) -> (0)>
module attributes {stable_mosaic.version = 14 : i64} {
  func.func @hist_kernel(%arg0: i32, %arg1: i32, %arg2: memref<4096x4096xf32, #tpu.memory_space<hbm>>, %arg3: memref<16xi32, #tpu.memory_space<hbm>>, %arg4: memref<32x65536xi32, #tpu.memory_space<hbm>>, %arg5: memref<8x2048xf32, #tpu.memory_space<vmem>>, %arg6: memref<8x2048xf32, #tpu.memory_space<vmem>>, %arg7: memref<65536xi32, #tpu.memory_space<vmem>>, %arg8: memref<16xi32, #tpu.memory_space<vmem>>, %arg9: memref<!tpu.dma_semaphore, #tpu.memory_space<semaphore_mem>>, %arg10: memref<!tpu.dma_semaphore, #tpu.memory_space<semaphore_mem>>) attributes {dimension_semantics = [#tpu.dimension_semantics<core_parallel>, #tpu.dimension_semantics<subcore_parallel>], iteration_bounds = array<i64: 2, 16>, scalar_prefetch = 0 : i64, scratch_operands = 6 : i64, tpu.core_type = #tpu.core_type<sc_vector_subcore>, window_params = [{transform_indices = #map}, {transform_indices = #map1}, {transform_indices = #map}]} {
    %mul3A = arith.constant 2 : i32
    %mul3A_0 = arith.muli %arg1, %mul3A : i32
    %add3A = arith.addi %mul3A_0, %arg0 : i32
    %mul3A_1 = arith.constant 32 : i32
    %mul3A_2 = arith.muli %add3A, %mul3A_1 : i32
    %add3A_3 = arith.constant 0 : i32
    %add3A_4 = arith.addi %mul3A_2, %add3A_3 : i32
    %jit3A = arith.constant 2 : i32
    %div3A = arith.divsi %add3A_4, %jit3A : i32
    %sign3A = arith.constant 0 : i32
    %sign3A_5 = arith.cmpi sgt, %add3A_4, %sign3A : i32
    %sign3A_6 = arith.extui %sign3A_5 : i1 to i32
    %sign3A_7 = arith.constant 0 : i32
    %sign3A_8 = arith.cmpi slt, %add3A_4, %sign3A_7 : i32
    %sign3A_9 = arith.extui %sign3A_8 : i1 to i32
    %sign3A_10 = arith.subi %sign3A_6, %sign3A_9 : i32
    %sign3A_11 = arith.constant 0 : i32
    %sign3A_12 = arith.cmpi sgt, %jit3A, %sign3A_11 : i32
    %sign3A_13 = arith.extui %sign3A_12 : i1 to i32
    %sign3A_14 = arith.constant 0 : i32
    %sign3A_15 = arith.cmpi slt, %jit3A, %sign3A_14 : i32
    %sign3A_16 = arith.extui %sign3A_15 : i1 to i32
    %sign3A_17 = arith.subi %sign3A_13, %sign3A_16 : i32
    %ne3A = arith.cmpi ne, %sign3A_10, %sign3A_17 : i32
    %rem3A = arith.remsi %add3A_4, %jit3A : i32
    %ne3A_18 = arith.constant 0 : i32
    %ne3A_19 = arith.cmpi ne, %rem3A, %ne3A_18 : i32
    %and3A = arith.andi %ne3A, %ne3A_19 : i1
    %sub3A = arith.constant 1 : i32
    %sub3A_20 = arith.subi %div3A, %sub3A : i32
    %select_n3A = arith.select %and3A, %sub3A_20, %div3A : i32
    %mul3A_21 = arith.constant 8 : i32
    %mul3A_22 = arith.muli %select_n3A, %mul3A_21 : i32
    %jit3A_23 = arith.constant 2 : i32
    %eq3A = arith.constant 0 : i32
    %eq3A_24 = arith.cmpi eq, %jit3A_23, %eq3A : i32
    %jit3A_25 = arith.constant 1 : i32
    %select_n3A_26 = arith.select %eq3A_24, %jit3A_25, %jit3A_23 : i32
    %rem3A_27 = arith.remsi %add3A_4, %select_n3A_26 : i32
    %ne3A_28 = arith.constant 0 : i32
    %ne3A_29 = arith.cmpi ne, %rem3A_27, %ne3A_28 : i32
    %lt3A = arith.constant 0 : i32
    %lt3A_30 = arith.cmpi slt, %rem3A_27, %lt3A : i32
    %lt3A_31 = arith.constant 0 : i32
    %lt3A_32 = arith.cmpi slt, %select_n3A_26, %lt3A_31 : i32
    %ne3A_33 = arith.xori %lt3A_30, %lt3A_32 : i1
    %and3A_34 = arith.andi %ne3A_33, %ne3A_29 : i1
    %add3A_35 = arith.addi %rem3A_27, %select_n3A_26 : i32
    %select_n3A_36 = arith.select %and3A_34, %add3A_35, %rem3A_27 : i32
    %mul3A_37 = arith.constant 2048 : i32
    %mul3A_38 = arith.muli %select_n3A_36, %mul3A_37 : i32
    %dma_start3A = tpu.memref_slice %arg2[%mul3A_22, %mul3A_38] : memref<4096x4096xf32, #tpu.memory_space<hbm>> -> memref<8x2048xf32, #tpu.memory_space<hbm>>
    %dma_start3A_39 = tpu.memref_slice %arg2[%mul3A_22, %mul3A_38] : memref<4096x4096xf32, #tpu.memory_space<hbm>> -> memref<8x2048xf32, #tpu.memory_space<hbm>>
    tpu.enqueue_dma source(%dma_start3A_39 : memref<8x2048xf32, #tpu.memory_space<hbm>>) target(%arg5 : memref<8x2048xf32, #tpu.memory_space<vmem>>) target_semaphore(%arg9 : memref<!tpu.dma_semaphore, #tpu.memory_space<semaphore_mem>>)
    %mul3A_40 = arith.constant 32 : i32
    %mul3A_41 = arith.muli %add3A, %mul3A_40 : i32
    %add3A_42 = arith.constant 1 : i32
    %add3A_43 = arith.addi %mul3A_41, %add3A_42 : i32
    %jit3A_44 = arith.constant 2 : i32
    %div3A_45 = arith.divsi %add3A_43, %jit3A_44 : i32
    %sign3A_46 = arith.constant 0 : i32
    %sign3A_47 = arith.cmpi sgt, %add3A_43, %sign3A_46 : i32
    %sign3A_48 = arith.extui %sign3A_47 : i1 to i32
    %sign3A_49 = arith.constant 0 : i32
    %sign3A_50 = arith.cmpi slt, %add3A_43, %sign3A_49 : i32
    %sign3A_51 = arith.extui %sign3A_50 : i1 to i32
    %sign3A_52 = arith.subi %sign3A_48, %sign3A_51 : i32
    %sign3A_53 = arith.constant 0 : i32
    %sign3A_54 = arith.cmpi sgt, %jit3A_44, %sign3A_53 : i32
    %sign3A_55 = arith.extui %sign3A_54 : i1 to i32
    %sign3A_56 = arith.constant 0 : i32
    %sign3A_57 = arith.cmpi slt, %jit3A_44, %sign3A_56 : i32
    %sign3A_58 = arith.extui %sign3A_57 : i1 to i32
    %sign3A_59 = arith.subi %sign3A_55, %sign3A_58 : i32
    %ne3A_60 = arith.cmpi ne, %sign3A_52, %sign3A_59 : i32
    %rem3A_61 = arith.remsi %add3A_43, %jit3A_44 : i32
    %ne3A_62 = arith.constant 0 : i32
    %ne3A_63 = arith.cmpi ne, %rem3A_61, %ne3A_62 : i32
    %and3A_64 = arith.andi %ne3A_60, %ne3A_63 : i1
    %sub3A_65 = arith.constant 1 : i32
    %sub3A_66 = arith.subi %div3A_45, %sub3A_65 : i32
    %select_n3A_67 = arith.select %and3A_64, %sub3A_66, %div3A_45 : i32
    %mul3A_68 = arith.constant 8 : i32
    %mul3A_69 = arith.muli %select_n3A_67, %mul3A_68 : i32
    %jit3A_70 = arith.constant 2 : i32
    %eq3A_71 = arith.constant 0 : i32
    %eq3A_72 = arith.cmpi eq, %jit3A_70, %eq3A_71 : i32
    %jit3A_73 = arith.constant 1 : i32
    %select_n3A_74 = arith.select %eq3A_72, %jit3A_73, %jit3A_70 : i32
    %rem3A_75 = arith.remsi %add3A_43, %select_n3A_74 : i32
    %ne3A_76 = arith.constant 0 : i32
    %ne3A_77 = arith.cmpi ne, %rem3A_75, %ne3A_76 : i32
    %lt3A_78 = arith.constant 0 : i32
    %lt3A_79 = arith.cmpi slt, %rem3A_75, %lt3A_78 : i32
    %lt3A_80 = arith.constant 0 : i32
    %lt3A_81 = arith.cmpi slt, %select_n3A_74, %lt3A_80 : i32
    %ne3A_82 = arith.xori %lt3A_79, %lt3A_81 : i1
    %and3A_83 = arith.andi %ne3A_82, %ne3A_77 : i1
    %add3A_84 = arith.addi %rem3A_75, %select_n3A_74 : i32
    %select_n3A_85 = arith.select %and3A_83, %add3A_84, %rem3A_75 : i32
    %mul3A_86 = arith.constant 2048 : i32
    %mul3A_87 = arith.muli %select_n3A_85, %mul3A_86 : i32
    %dma_start3A_88 = tpu.memref_slice %arg2[%mul3A_69, %mul3A_87] : memref<4096x4096xf32, #tpu.memory_space<hbm>> -> memref<8x2048xf32, #tpu.memory_space<hbm>>
    %dma_start3A_89 = tpu.memref_slice %arg2[%mul3A_69, %mul3A_87] : memref<4096x4096xf32, #tpu.memory_space<hbm>> -> memref<8x2048xf32, #tpu.memory_space<hbm>>
    tpu.enqueue_dma source(%dma_start3A_89 : memref<8x2048xf32, #tpu.memory_space<hbm>>) target(%arg6 : memref<8x2048xf32, #tpu.memory_space<vmem>>) target_semaphore(%arg10 : memref<!tpu.dma_semaphore, #tpu.memory_space<semaphore_mem>>)
    %broadcast_in_dim3A = arith.constant 0 : i32
    %broadcast_in_dim3A_90 = vector.broadcast %broadcast_in_dim3A : i32 to vector<16xi32>
    %parallel_loop3A = arith.constant 0 : i32
    %parallel_loop3A_91 = arith.constant 4096 : i32
    %parallel_loop3A_92 = arith.constant 1 : i32
    scf.for %parallel_loop3A_201 = %parallel_loop3A to %parallel_loop3A_91 step %parallel_loop3A_92  : i32 {
      %parallel_loop3A_202 = arith.constant 16 : i32
      %parallel_loop3A_203 = arith.muli %parallel_loop3A_201, %parallel_loop3A_202 : i32
      %parallel_loop3A_204 = arith.index_cast %parallel_loop3A_203 : i32 to index
      %parallel_loop3A_205 = tpu.vector_load %arg7[%parallel_loop3A_204] {strides = array<i32>} : memref<65536xi32, #tpu.memory_space<vmem>>, vector<16xi32>,
      tpu.vector_store %arg7[%parallel_loop3A_204], %broadcast_in_dim3A_90 {strides = array<i32>} : memref<65536xi32, #tpu.memory_space<vmem>>, vector<16xi32>,
    } {sc.loop_unroll_factor = 8 : i64, sc.parallel_access}
    "tpu.region"() ({
      %run_scoped3A = tpu.sem_alloc : memref<!tpu.dma_semaphore, #tpu.memory_space<semaphore_mem>>
      tpu.enqueue_dma source(%arg3 : memref<16xi32, #tpu.memory_space<hbm>>) target(%arg8 : memref<16xi32, #tpu.memory_space<vmem>>) target_semaphore(%run_scoped3A : memref<!tpu.dma_semaphore, #tpu.memory_space<semaphore_mem>>)
      tpu.wait_dma2 semaphore(%run_scoped3A : memref<!tpu.dma_semaphore, #tpu.memory_space<semaphore_mem>>) src(%arg3 : memref<16xi32, #tpu.memory_space<hbm>>) dst(%arg8 : memref<16xi32, #tpu.memory_space<vmem>>)
      tpu.yield
    }) : () -> ()
    %get3A = arith.constant 0 : index
    %get3A_93 = tpu.vector_load %arg8[%get3A] {strides = array<i32>} : memref<16xi32, #tpu.memory_space<vmem>>, vector<16xi32>,
    %broadcast_in_dim3A_94 = arith.constant 1 : i32
    %broadcast_in_dim3A_95 = vector.broadcast %broadcast_in_dim3A_94 : i32 to vector<16xi32>
    %scan3A = arith.constant 0 : i32
    %scan3A_96 = arith.constant 0 : i32
    %scan3A_97 = arith.constant 16 : i32
    %scan3A_98 = arith.addi %scan3A_96, %scan3A_97 : i32
    %scan3A_99 = arith.constant 1 : i32
    %scan3A_100 = scf.for %scan3A_201 = %scan3A_96 to %scan3A_98 step %scan3A_99 iter_args(%scan3A_202 = %scan3A) -> (i32)  : i32 {
      %mul3A_203 = arith.constant 2 : i32
      %mul3A_204 = arith.muli %mul3A_203, %scan3A_201 : i32
      %mul3A_205 = arith.constant 32 : i32
      %mul3A_206 = arith.muli %add3A, %mul3A_205 : i32
      %add3A_207 = arith.addi %mul3A_206, %mul3A_204 : i32
      %jit3A_208 = arith.constant 2 : i32
      %div3A_209 = arith.divsi %add3A_207, %jit3A_208 : i32
      %sign3A_210 = arith.constant 0 : i32
      %sign3A_211 = arith.cmpi sgt, %add3A_207, %sign3A_210 : i32
      %sign3A_212 = arith.extui %sign3A_211 : i1 to i32
      %sign3A_213 = arith.constant 0 : i32
      %sign3A_214 = arith.cmpi slt, %add3A_207, %sign3A_213 : i32
      %sign3A_215 = arith.extui %sign3A_214 : i1 to i32
      %sign3A_216 = arith.subi %sign3A_212, %sign3A_215 : i32
      %sign3A_217 = arith.constant 0 : i32
      %sign3A_218 = arith.cmpi sgt, %jit3A_208, %sign3A_217 : i32
      %sign3A_219 = arith.extui %sign3A_218 : i1 to i32
      %sign3A_220 = arith.constant 0 : i32
      %sign3A_221 = arith.cmpi slt, %jit3A_208, %sign3A_220 : i32
      %sign3A_222 = arith.extui %sign3A_221 : i1 to i32
      %sign3A_223 = arith.subi %sign3A_219, %sign3A_222 : i32
      %ne3A_224 = arith.cmpi ne, %sign3A_216, %sign3A_223 : i32
      %rem3A_225 = arith.remsi %add3A_207, %jit3A_208 : i32
      %ne3A_226 = arith.constant 0 : i32
      %ne3A_227 = arith.cmpi ne, %rem3A_225, %ne3A_226 : i32
      %and3A_228 = arith.andi %ne3A_224, %ne3A_227 : i1
      %sub3A_229 = arith.constant 1 : i32
      %sub3A_230 = arith.subi %div3A_209, %sub3A_229 : i32
      %select_n3A_231 = arith.select %and3A_228, %sub3A_230, %div3A_209 : i32
      %mul3A_232 = arith.constant 8 : i32
      %mul3A_233 = arith.muli %select_n3A_231, %mul3A_232 : i32
      %jit3A_234 = arith.constant 2 : i32
      %eq3A_235 = arith.constant 0 : i32
      %eq3A_236 = arith.cmpi eq, %jit3A_234, %eq3A_235 : i32
      %jit3A_237 = arith.constant 1 : i32
      %select_n3A_238 = arith.select %eq3A_236, %jit3A_237, %jit3A_234 : i32
      %rem3A_239 = arith.remsi %add3A_207, %select_n3A_238 : i32
      %ne3A_240 = arith.constant 0 : i32
      %ne3A_241 = arith.cmpi ne, %rem3A_239, %ne3A_240 : i32
      %lt3A_242 = arith.constant 0 : i32
      %lt3A_243 = arith.cmpi slt, %rem3A_239, %lt3A_242 : i32
      %lt3A_244 = arith.constant 0 : i32
      %lt3A_245 = arith.cmpi slt, %select_n3A_238, %lt3A_244 : i32
      %ne3A_246 = arith.xori %lt3A_243, %lt3A_245 : i1
      %and3A_247 = arith.andi %ne3A_246, %ne3A_241 : i1
      %add3A_248 = arith.addi %rem3A_239, %select_n3A_238 : i32
      %select_n3A_249 = arith.select %and3A_247, %add3A_248, %rem3A_239 : i32
      %mul3A_250 = arith.constant 2048 : i32
      %mul3A_251 = arith.muli %select_n3A_249, %mul3A_250 : i32
      %dma_wait3A_252 = tpu.memref_slice %arg2[%mul3A_233, %mul3A_251] : memref<4096x4096xf32, #tpu.memory_space<hbm>> -> memref<8x2048xf32, #tpu.memory_space<hbm>>
      %dma_wait3A_253 = tpu.memref_slice %arg2[%mul3A_233, %mul3A_251] : memref<4096x4096xf32, #tpu.memory_space<hbm>> -> memref<8x2048xf32, #tpu.memory_space<hbm>>
      tpu.wait_dma2 semaphore(%arg9 : memref<!tpu.dma_semaphore, #tpu.memory_space<semaphore_mem>>) src(%dma_wait3A_253 : memref<8x2048xf32, #tpu.memory_space<hbm>>) dst(%arg5 : memref<8x2048xf32, #tpu.memory_space<vmem>>)
      %parallel_loop3A_254 = arith.constant 0 : i32
      %parallel_loop3A_255 = arith.constant 1024 : i32
      %parallel_loop3A_256 = arith.constant 1 : i32
      scf.for %parallel_loop3A_417 = %parallel_loop3A_254 to %parallel_loop3A_255 step %parallel_loop3A_256  : i32 {
        %parallel_loop3A_418 = arith.constant 7 : i32
        %parallel_loop3A_419 = arith.shrui %parallel_loop3A_417, %parallel_loop3A_418 : i32
        %parallel_loop3A_420 = arith.constant 127 : i32
        %parallel_loop3A_421 = arith.andi %parallel_loop3A_417, %parallel_loop3A_420 : i32
        %parallel_loop3A_422 = arith.constant 16 : i32
        %parallel_loop3A_423 = arith.muli %parallel_loop3A_421, %parallel_loop3A_422 : i32
        %parallel_loop3A_424 = arith.index_cast %parallel_loop3A_419 : i32 to index
        %parallel_loop3A_425 = arith.index_cast %parallel_loop3A_423 : i32 to index
        %parallel_loop3A_426 = tpu.vector_load %arg5[%parallel_loop3A_424, %parallel_loop3A_425] {strides = array<i32>} : memref<8x2048xf32, #tpu.memory_space<vmem>>, vector<16xf32>,
        %parallel_loop3A_427 = tpu.bitcast %parallel_loop3A_426 : vector<16xf32> -> vector<16xi32>
        %parallel_loop3A_428 = arith.constant 16 : i32
        %parallel_loop3A_429 = vector.broadcast %parallel_loop3A_428 : i32 to vector<16xi32>
        %parallel_loop3A_430 = arith.shrui %parallel_loop3A_427, %parallel_loop3A_429 : vector<16xi32>
        %parallel_loop3A_431 = arith.constant 0 : i32
        %parallel_loop3A_432 = vector.broadcast %parallel_loop3A_431 : i32 to vector<16xi32>
        %parallel_loop3A_433 = arith.andi %parallel_loop3A_427, %parallel_loop3A_432 : vector<16xi32>
        %parallel_loop3A_434 = arith.cmpi eq, %parallel_loop3A_433, %get3A_93 : vector<16xi32>
        %parallel_loop3A_435 = tpu.bitcast %parallel_loop3A_430 : vector<16xi32> -> vector<16xi32>
        tpu.vector_store_idx %arg7[%parallel_loop3A_435], %broadcast_in_dim3A_95 masked %parallel_loop3A_434 {add = true} : memref<65536xi32, #tpu.memory_space<vmem>>[vector<16xi32>], vector<16xi32>, vector<16xi1>
      } {sc.loop_unroll_factor = 16 : i64, sc.parallel_access}
      %add3A_257 = arith.constant 2 : i32
      %add3A_258 = arith.addi %mul3A_204, %add3A_257 : i32
      %min3A = arith.constant 31 : i32
      %min3A_259 = arith.minsi %add3A_258, %min3A : i32
      %mul3A_260 = arith.constant 32 : i32
      %mul3A_261 = arith.muli %add3A, %mul3A_260 : i32
      %add3A_262 = arith.addi %mul3A_261, %min3A_259 : i32
      %jit3A_263 = arith.constant 2 : i32
      %div3A_264 = arith.divsi %add3A_262, %jit3A_263 : i32
      %sign3A_265 = arith.constant 0 : i32
      %sign3A_266 = arith.cmpi sgt, %add3A_262, %sign3A_265 : i32
      %sign3A_267 = arith.extui %sign3A_266 : i1 to i32
      %sign3A_268 = arith.constant 0 : i32
      %sign3A_269 = arith.cmpi slt, %add3A_262, %sign3A_268 : i32
      %sign3A_270 = arith.extui %sign3A_269 : i1 to i32
      %sign3A_271 = arith.subi %sign3A_267, %sign3A_270 : i32
      %sign3A_272 = arith.constant 0 : i32
      %sign3A_273 = arith.cmpi sgt, %jit3A_263, %sign3A_272 : i32
      %sign3A_274 = arith.extui %sign3A_273 : i1 to i32
      %sign3A_275 = arith.constant 0 : i32
      %sign3A_276 = arith.cmpi slt, %jit3A_263, %sign3A_275 : i32
      %sign3A_277 = arith.extui %sign3A_276 : i1 to i32
      %sign3A_278 = arith.subi %sign3A_274, %sign3A_277 : i32
      %ne3A_279 = arith.cmpi ne, %sign3A_271, %sign3A_278 : i32
      %rem3A_280 = arith.remsi %add3A_262, %jit3A_263 : i32
      %ne3A_281 = arith.constant 0 : i32
      %ne3A_282 = arith.cmpi ne, %rem3A_280, %ne3A_281 : i32
      %and3A_283 = arith.andi %ne3A_279, %ne3A_282 : i1
      %sub3A_284 = arith.constant 1 : i32
      %sub3A_285 = arith.subi %div3A_264, %sub3A_284 : i32
      %select_n3A_286 = arith.select %and3A_283, %sub3A_285, %div3A_264 : i32
      %mul3A_287 = arith.constant 8 : i32
      %mul3A_288 = arith.muli %select_n3A_286, %mul3A_287 : i32
      %jit3A_289 = arith.constant 2 : i32
      %eq3A_290 = arith.constant 0 : i32
      %eq3A_291 = arith.cmpi eq, %jit3A_289, %eq3A_290 : i32
      %jit3A_292 = arith.constant 1 : i32
      %select_n3A_293 = arith.select %eq3A_291, %jit3A_292, %jit3A_289 : i32
      %rem3A_294 = arith.remsi %add3A_262, %select_n3A_293 : i32
      %ne3A_295 = arith.constant 0 : i32
      %ne3A_296 = arith.cmpi ne, %rem3A_294, %ne3A_295 : i32
      %lt3A_297 = arith.constant 0 : i32
      %lt3A_298 = arith.cmpi slt, %rem3A_294, %lt3A_297 : i32
      %lt3A_299 = arith.constant 0 : i32
      %lt3A_300 = arith.cmpi slt, %select_n3A_293, %lt3A_299 : i32
      %ne3A_301 = arith.xori %lt3A_298, %lt3A_300 : i1
      %and3A_302 = arith.andi %ne3A_301, %ne3A_296 : i1
      %add3A_303 = arith.addi %rem3A_294, %select_n3A_293 : i32
      %select_n3A_304 = arith.select %and3A_302, %add3A_303, %rem3A_294 : i32
      %mul3A_305 = arith.constant 2048 : i32
      %mul3A_306 = arith.muli %select_n3A_304, %mul3A_305 : i32
      %dma_start3A_307 = tpu.memref_slice %arg2[%mul3A_288, %mul3A_306] : memref<4096x4096xf32, #tpu.memory_space<hbm>> -> memref<8x2048xf32, #tpu.memory_space<hbm>>
      %dma_start3A_308 = tpu.memref_slice %arg2[%mul3A_288, %mul3A_306] : memref<4096x4096xf32, #tpu.memory_space<hbm>> -> memref<8x2048xf32, #tpu.memory_space<hbm>>
      tpu.enqueue_dma source(%dma_start3A_308 : memref<8x2048xf32, #tpu.memory_space<hbm>>) target(%arg5 : memref<8x2048xf32, #tpu.memory_space<vmem>>) target_semaphore(%arg9 : memref<!tpu.dma_semaphore, #tpu.memory_space<semaphore_mem>>)
      %add3A_309 = arith.constant 1 : i32
      %add3A_310 = arith.addi %mul3A_204, %add3A_309 : i32
      %mul3A_311 = arith.constant 32 : i32
      %mul3A_312 = arith.muli %add3A, %mul3A_311 : i32
      %add3A_313 = arith.addi %mul3A_312, %add3A_310 : i32
      %jit3A_314 = arith.constant 2 : i32
      %div3A_315 = arith.divsi %add3A_313, %jit3A_314 : i32
      %sign3A_316 = arith.constant 0 : i32
      %sign3A_317 = arith.cmpi sgt, %add3A_313, %sign3A_316 : i32
      %sign3A_318 = arith.extui %sign3A_317 : i1 to i32
      %sign3A_319 = arith.constant 0 : i32
      %sign3A_320 = arith.cmpi slt, %add3A_313, %sign3A_319 : i32
      %sign3A_321 = arith.extui %sign3A_320 : i1 to i32
      %sign3A_322 = arith.subi %sign3A_318, %sign3A_321 : i32
      %sign3A_323 = arith.constant 0 : i32
      %sign3A_324 = arith.cmpi sgt, %jit3A_314, %sign3A_323 : i32
      %sign3A_325 = arith.extui %sign3A_324 : i1 to i32
      %sign3A_326 = arith.constant 0 : i32
      %sign3A_327 = arith.cmpi slt, %jit3A_314, %sign3A_326 : i32
      %sign3A_328 = arith.extui %sign3A_327 : i1 to i32
      %sign3A_329 = arith.subi %sign3A_325, %sign3A_328 : i32
      %ne3A_330 = arith.cmpi ne, %sign3A_322, %sign3A_329 : i32
      %rem3A_331 = arith.remsi %add3A_313, %jit3A_314 : i32
      %ne3A_332 = arith.constant 0 : i32
      %ne3A_333 = arith.cmpi ne, %rem3A_331, %ne3A_332 : i32
      %and3A_334 = arith.andi %ne3A_330, %ne3A_333 : i1
      %sub3A_335 = arith.constant 1 : i32
      %sub3A_336 = arith.subi %div3A_315, %sub3A_335 : i32
      %select_n3A_337 = arith.select %and3A_334, %sub3A_336, %div3A_315 : i32
      %mul3A_338 = arith.constant 8 : i32
      %mul3A_339 = arith.muli %select_n3A_337, %mul3A_338 : i32
      %jit3A_340 = arith.constant 2 : i32
      %eq3A_341 = arith.constant 0 : i32
      %eq3A_342 = arith.cmpi eq, %jit3A_340, %eq3A_341 : i32
      %jit3A_343 = arith.constant 1 : i32
      %select_n3A_344 = arith.select %eq3A_342, %jit3A_343, %jit3A_340 : i32
      %rem3A_345 = arith.remsi %add3A_313, %select_n3A_344 : i32
      %ne3A_346 = arith.constant 0 : i32
      %ne3A_347 = arith.cmpi ne, %rem3A_345, %ne3A_346 : i32
      %lt3A_348 = arith.constant 0 : i32
      %lt3A_349 = arith.cmpi slt, %rem3A_345, %lt3A_348 : i32
      %lt3A_350 = arith.constant 0 : i32
      %lt3A_351 = arith.cmpi slt, %select_n3A_344, %lt3A_350 : i32
      %ne3A_352 = arith.xori %lt3A_349, %lt3A_351 : i1
      %and3A_353 = arith.andi %ne3A_352, %ne3A_347 : i1
      %add3A_354 = arith.addi %rem3A_345, %select_n3A_344 : i32
      %select_n3A_355 = arith.select %and3A_353, %add3A_354, %rem3A_345 : i32
      %mul3A_356 = arith.constant 2048 : i32
      %mul3A_357 = arith.muli %select_n3A_355, %mul3A_356 : i32
      %dma_wait3A_358 = tpu.memref_slice %arg2[%mul3A_339, %mul3A_357] : memref<4096x4096xf32, #tpu.memory_space<hbm>> -> memref<8x2048xf32, #tpu.memory_space<hbm>>
      %dma_wait3A_359 = tpu.memref_slice %arg2[%mul3A_339, %mul3A_357] : memref<4096x4096xf32, #tpu.memory_space<hbm>> -> memref<8x2048xf32, #tpu.memory_space<hbm>>
      tpu.wait_dma2 semaphore(%arg10 : memref<!tpu.dma_semaphore, #tpu.memory_space<semaphore_mem>>) src(%dma_wait3A_359 : memref<8x2048xf32, #tpu.memory_space<hbm>>) dst(%arg6 : memref<8x2048xf32, #tpu.memory_space<vmem>>)
      %parallel_loop3A_360 = arith.constant 0 : i32
      %parallel_loop3A_361 = arith.constant 1024 : i32
      %parallel_loop3A_362 = arith.constant 1 : i32
      scf.for %parallel_loop3A_417 = %parallel_loop3A_360 to %parallel_loop3A_361 step %parallel_loop3A_362  : i32 {
        %parallel_loop3A_418 = arith.constant 7 : i32
        %parallel_loop3A_419 = arith.shrui %parallel_loop3A_417, %parallel_loop3A_418 : i32
        %parallel_loop3A_420 = arith.constant 127 : i32
        %parallel_loop3A_421 = arith.andi %parallel_loop3A_417, %parallel_loop3A_420 : i32
        %parallel_loop3A_422 = arith.constant 16 : i32
        %parallel_loop3A_423 = arith.muli %parallel_loop3A_421, %parallel_loop3A_422 : i32
        %parallel_loop3A_424 = arith.index_cast %parallel_loop3A_419 : i32 to index
        %parallel_loop3A_425 = arith.index_cast %parallel_loop3A_423 : i32 to index
        %parallel_loop3A_426 = tpu.vector_load %arg6[%parallel_loop3A_424, %parallel_loop3A_425] {strides = array<i32>} : memref<8x2048xf32, #tpu.memory_space<vmem>>, vector<16xf32>,
        %parallel_loop3A_427 = tpu.bitcast %parallel_loop3A_426 : vector<16xf32> -> vector<16xi32>
        %parallel_loop3A_428 = arith.constant 16 : i32
        %parallel_loop3A_429 = vector.broadcast %parallel_loop3A_428 : i32 to vector<16xi32>
        %parallel_loop3A_430 = arith.shrui %parallel_loop3A_427, %parallel_loop3A_429 : vector<16xi32>
        %parallel_loop3A_431 = arith.constant 0 : i32
        %parallel_loop3A_432 = vector.broadcast %parallel_loop3A_431 : i32 to vector<16xi32>
        %parallel_loop3A_433 = arith.andi %parallel_loop3A_427, %parallel_loop3A_432 : vector<16xi32>
        %parallel_loop3A_434 = arith.cmpi eq, %parallel_loop3A_433, %get3A_93 : vector<16xi32>
        %parallel_loop3A_435 = tpu.bitcast %parallel_loop3A_430 : vector<16xi32> -> vector<16xi32>
        tpu.vector_store_idx %arg7[%parallel_loop3A_435], %broadcast_in_dim3A_95 masked %parallel_loop3A_434 {add = true} : memref<65536xi32, #tpu.memory_space<vmem>>[vector<16xi32>], vector<16xi32>, vector<16xi1>
      } {sc.loop_unroll_factor = 16 : i64, sc.parallel_access}
      %add3A_363 = arith.constant 3 : i32
      %add3A_364 = arith.addi %mul3A_204, %add3A_363 : i32
      %min3A_365 = arith.constant 31 : i32
      %min3A_366 = arith.minsi %add3A_364, %min3A_365 : i32
      %mul3A_367 = arith.constant 32 : i32
      %mul3A_368 = arith.muli %add3A, %mul3A_367 : i32
      %add3A_369 = arith.addi %mul3A_368, %min3A_366 : i32
      %jit3A_370 = arith.constant 2 : i32
      %div3A_371 = arith.divsi %add3A_369, %jit3A_370 : i32
      %sign3A_372 = arith.constant 0 : i32
      %sign3A_373 = arith.cmpi sgt, %add3A_369, %sign3A_372 : i32
      %sign3A_374 = arith.extui %sign3A_373 : i1 to i32
      %sign3A_375 = arith.constant 0 : i32
      %sign3A_376 = arith.cmpi slt, %add3A_369, %sign3A_375 : i32
      %sign3A_377 = arith.extui %sign3A_376 : i1 to i32
      %sign3A_378 = arith.subi %sign3A_374, %sign3A_377 : i32
      %sign3A_379 = arith.constant 0 : i32
      %sign3A_380 = arith.cmpi sgt, %jit3A_370, %sign3A_379 : i32
      %sign3A_381 = arith.extui %sign3A_380 : i1 to i32
      %sign3A_382 = arith.constant 0 : i32
      %sign3A_383 = arith.cmpi slt, %jit3A_370, %sign3A_382 : i32
      %sign3A_384 = arith.extui %sign3A_383 : i1 to i32
      %sign3A_385 = arith.subi %sign3A_381, %sign3A_384 : i32
      %ne3A_386 = arith.cmpi ne, %sign3A_378, %sign3A_385 : i32
      %rem3A_387 = arith.remsi %add3A_369, %jit3A_370 : i32
      %ne3A_388 = arith.constant 0 : i32
      %ne3A_389 = arith.cmpi ne, %rem3A_387, %ne3A_388 : i32
      %and3A_390 = arith.andi %ne3A_386, %ne3A_389 : i1
      %sub3A_391 = arith.constant 1 : i32
      %sub3A_392 = arith.subi %div3A_371, %sub3A_391 : i32
      %select_n3A_393 = arith.select %and3A_390, %sub3A_392, %div3A_371 : i32
      %mul3A_394 = arith.constant 8 : i32
      %mul3A_395 = arith.muli %select_n3A_393, %mul3A_394 : i32
      %jit3A_396 = arith.constant 2 : i32
      %eq3A_397 = arith.constant 0 : i32
      %eq3A_398 = arith.cmpi eq, %jit3A_396, %eq3A_397 : i32
      %jit3A_399 = arith.constant 1 : i32
      %select_n3A_400 = arith.select %eq3A_398, %jit3A_399, %jit3A_396 : i32
      %rem3A_401 = arith.remsi %add3A_369, %select_n3A_400 : i32
      %ne3A_402 = arith.constant 0 : i32
      %ne3A_403 = arith.cmpi ne, %rem3A_401, %ne3A_402 : i32
      %lt3A_404 = arith.constant 0 : i32
      %lt3A_405 = arith.cmpi slt, %rem3A_401, %lt3A_404 : i32
      %lt3A_406 = arith.constant 0 : i32
      %lt3A_407 = arith.cmpi slt, %select_n3A_400, %lt3A_406 : i32
      %ne3A_408 = arith.xori %lt3A_405, %lt3A_407 : i1
      %and3A_409 = arith.andi %ne3A_408, %ne3A_403 : i1
      %add3A_410 = arith.addi %rem3A_401, %select_n3A_400 : i32
      %select_n3A_411 = arith.select %and3A_409, %add3A_410, %rem3A_401 : i32
      %mul3A_412 = arith.constant 2048 : i32
      %mul3A_413 = arith.muli %select_n3A_411, %mul3A_412 : i32
      %dma_start3A_414 = tpu.memref_slice %arg2[%mul3A_395, %mul3A_413] : memref<4096x4096xf32, #tpu.memory_space<hbm>> -> memref<8x2048xf32, #tpu.memory_space<hbm>>
      %dma_start3A_415 = tpu.memref_slice %arg2[%mul3A_395, %mul3A_413] : memref<4096x4096xf32, #tpu.memory_space<hbm>> -> memref<8x2048xf32, #tpu.memory_space<hbm>>
      tpu.enqueue_dma source(%dma_start3A_415 : memref<8x2048xf32, #tpu.memory_space<hbm>>) target(%arg6 : memref<8x2048xf32, #tpu.memory_space<vmem>>) target_semaphore(%arg10 : memref<!tpu.dma_semaphore, #tpu.memory_space<semaphore_mem>>)
      %scan3A_416 = arith.constant 0 : i32
      scf.yield %scan3A_416 : i32
    }
    %scan3A_101 = arith.constant 16 : i32
    %mul3A_102 = arith.constant 32 : i32
    %mul3A_103 = arith.muli %add3A, %mul3A_102 : i32
    %add3A_104 = arith.constant 31 : i32
    %add3A_105 = arith.addi %mul3A_103, %add3A_104 : i32
    %jit3A_106 = arith.constant 2 : i32
    %div3A_107 = arith.divsi %add3A_105, %jit3A_106 : i32
    %sign3A_108 = arith.constant 0 : i32
    %sign3A_109 = arith.cmpi sgt, %add3A_105, %sign3A_108 : i32
    %sign3A_110 = arith.extui %sign3A_109 : i1 to i32
    %sign3A_111 = arith.constant 0 : i32
    %sign3A_112 = arith.cmpi slt, %add3A_105, %sign3A_111 : i32
    %sign3A_113 = arith.extui %sign3A_112 : i1 to i32
    %sign3A_114 = arith.subi %sign3A_110, %sign3A_113 : i32
    %sign3A_115 = arith.constant 0 : i32
    %sign3A_116 = arith.cmpi sgt, %jit3A_106, %sign3A_115 : i32
    %sign3A_117 = arith.extui %sign3A_116 : i1 to i32
    %sign3A_118 = arith.constant 0 : i32
    %sign3A_119 = arith.cmpi slt, %jit3A_106, %sign3A_118 : i32
    %sign3A_120 = arith.extui %sign3A_119 : i1 to i32
    %sign3A_121 = arith.subi %sign3A_117, %sign3A_120 : i32
    %ne3A_122 = arith.cmpi ne, %sign3A_114, %sign3A_121 : i32
    %rem3A_123 = arith.remsi %add3A_105, %jit3A_106 : i32
    %ne3A_124 = arith.constant 0 : i32
    %ne3A_125 = arith.cmpi ne, %rem3A_123, %ne3A_124 : i32
    %and3A_126 = arith.andi %ne3A_122, %ne3A_125 : i1
    %sub3A_127 = arith.constant 1 : i32
    %sub3A_128 = arith.subi %div3A_107, %sub3A_127 : i32
    %select_n3A_129 = arith.select %and3A_126, %sub3A_128, %div3A_107 : i32
    %mul3A_130 = arith.constant 8 : i32
    %mul3A_131 = arith.muli %select_n3A_129, %mul3A_130 : i32
    %jit3A_132 = arith.constant 2 : i32
    %eq3A_133 = arith.constant 0 : i32
    %eq3A_134 = arith.cmpi eq, %jit3A_132, %eq3A_133 : i32
    %jit3A_135 = arith.constant 1 : i32
    %select_n3A_136 = arith.select %eq3A_134, %jit3A_135, %jit3A_132 : i32
    %rem3A_137 = arith.remsi %add3A_105, %select_n3A_136 : i32
    %ne3A_138 = arith.constant 0 : i32
    %ne3A_139 = arith.cmpi ne, %rem3A_137, %ne3A_138 : i32
    %lt3A_140 = arith.constant 0 : i32
    %lt3A_141 = arith.cmpi slt, %rem3A_137, %lt3A_140 : i32
    %lt3A_142 = arith.constant 0 : i32
    %lt3A_143 = arith.cmpi slt, %select_n3A_136, %lt3A_142 : i32
    %ne3A_144 = arith.xori %lt3A_141, %lt3A_143 : i1
    %and3A_145 = arith.andi %ne3A_144, %ne3A_139 : i1
    %add3A_146 = arith.addi %rem3A_137, %select_n3A_136 : i32
    %select_n3A_147 = arith.select %and3A_145, %add3A_146, %rem3A_137 : i32
    %mul3A_148 = arith.constant 2048 : i32
    %mul3A_149 = arith.muli %select_n3A_147, %mul3A_148 : i32
    %dma_wait3A = tpu.memref_slice %arg2[%mul3A_131, %mul3A_149] : memref<4096x4096xf32, #tpu.memory_space<hbm>> -> memref<8x2048xf32, #tpu.memory_space<hbm>>
    %dma_wait3A_150 = tpu.memref_slice %arg2[%mul3A_131, %mul3A_149] : memref<4096x4096xf32, #tpu.memory_space<hbm>> -> memref<8x2048xf32, #tpu.memory_space<hbm>>
    tpu.wait_dma2 semaphore(%arg9 : memref<!tpu.dma_semaphore, #tpu.memory_space<semaphore_mem>>) src(%dma_wait3A_150 : memref<8x2048xf32, #tpu.memory_space<hbm>>) dst(%arg5 : memref<8x2048xf32, #tpu.memory_space<vmem>>)
    %mul3A_151 = arith.constant 32 : i32
    %mul3A_152 = arith.muli %add3A, %mul3A_151 : i32
    %add3A_153 = arith.constant 31 : i32
    %add3A_154 = arith.addi %mul3A_152, %add3A_153 : i32
    %jit3A_155 = arith.constant 2 : i32
    %div3A_156 = arith.divsi %add3A_154, %jit3A_155 : i32
    %sign3A_157 = arith.constant 0 : i32
    %sign3A_158 = arith.cmpi sgt, %add3A_154, %sign3A_157 : i32
    %sign3A_159 = arith.extui %sign3A_158 : i1 to i32
    %sign3A_160 = arith.constant 0 : i32
    %sign3A_161 = arith.cmpi slt, %add3A_154, %sign3A_160 : i32
    %sign3A_162 = arith.extui %sign3A_161 : i1 to i32
    %sign3A_163 = arith.subi %sign3A_159, %sign3A_162 : i32
    %sign3A_164 = arith.constant 0 : i32
    %sign3A_165 = arith.cmpi sgt, %jit3A_155, %sign3A_164 : i32
    %sign3A_166 = arith.extui %sign3A_165 : i1 to i32
    %sign3A_167 = arith.constant 0 : i32
    %sign3A_168 = arith.cmpi slt, %jit3A_155, %sign3A_167 : i32
    %sign3A_169 = arith.extui %sign3A_168 : i1 to i32
    %sign3A_170 = arith.subi %sign3A_166, %sign3A_169 : i32
    %ne3A_171 = arith.cmpi ne, %sign3A_163, %sign3A_170 : i32
    %rem3A_172 = arith.remsi %add3A_154, %jit3A_155 : i32
    %ne3A_173 = arith.constant 0 : i32
    %ne3A_174 = arith.cmpi ne, %rem3A_172, %ne3A_173 : i32
    %and3A_175 = arith.andi %ne3A_171, %ne3A_174 : i1
    %sub3A_176 = arith.constant 1 : i32
    %sub3A_177 = arith.subi %div3A_156, %sub3A_176 : i32
    %select_n3A_178 = arith.select %and3A_175, %sub3A_177, %div3A_156 : i32
    %mul3A_179 = arith.constant 8 : i32
    %mul3A_180 = arith.muli %select_n3A_178, %mul3A_179 : i32
    %jit3A_181 = arith.constant 2 : i32
    %eq3A_182 = arith.constant 0 : i32
    %eq3A_183 = arith.cmpi eq, %jit3A_181, %eq3A_182 : i32
    %jit3A_184 = arith.constant 1 : i32
    %select_n3A_185 = arith.select %eq3A_183, %jit3A_184, %jit3A_181 : i32
    %rem3A_186 = arith.remsi %add3A_154, %select_n3A_185 : i32
    %ne3A_187 = arith.constant 0 : i32
    %ne3A_188 = arith.cmpi ne, %rem3A_186, %ne3A_187 : i32
    %lt3A_189 = arith.constant 0 : i32
    %lt3A_190 = arith.cmpi slt, %rem3A_186, %lt3A_189 : i32
    %lt3A_191 = arith.constant 0 : i32
    %lt3A_192 = arith.cmpi slt, %select_n3A_185, %lt3A_191 : i32
    %ne3A_193 = arith.xori %lt3A_190, %lt3A_192 : i1
    %and3A_194 = arith.andi %ne3A_193, %ne3A_188 : i1
    %add3A_195 = arith.addi %rem3A_186, %select_n3A_185 : i32
    %select_n3A_196 = arith.select %and3A_194, %add3A_195, %rem3A_186 : i32
    %mul3A_197 = arith.constant 2048 : i32
    %mul3A_198 = arith.muli %select_n3A_196, %mul3A_197 : i32
    %dma_wait3A_199 = tpu.memref_slice %arg2[%mul3A_180, %mul3A_198] : memref<4096x4096xf32, #tpu.memory_space<hbm>> -> memref<8x2048xf32, #tpu.memory_space<hbm>>
    %dma_wait3A_200 = tpu.memref_slice %arg2[%mul3A_180, %mul3A_198] : memref<4096x4096xf32, #tpu.memory_space<hbm>> -> memref<8x2048xf32, #tpu.memory_space<hbm>>
    tpu.wait_dma2 semaphore(%arg10 : memref<!tpu.dma_semaphore, #tpu.memory_space<semaphore_mem>>) src(%dma_wait3A_200 : memref<8x2048xf32, #tpu.memory_space<hbm>>) dst(%arg6 : memref<8x2048xf32, #tpu.memory_space<vmem>>)
    "tpu.region"() ({
      %run_scoped3A = tpu.sem_alloc : memref<!tpu.dma_semaphore, #tpu.memory_space<semaphore_mem>>
      %dma_start3A_201 = arith.constant 0 : i32
      %dma_start3A_202 = tpu.memref_slice %arg4[%add3A, %dma_start3A_201] : memref<32x65536xi32, #tpu.memory_space<hbm>> -> memref<1x65536xi32, #tpu.memory_space<hbm>>
      %dma_start3A_203 = tpu.memref_squeeze %dma_start3A_202 : memref<1x65536xi32, #tpu.memory_space<hbm>> -> memref<65536xi32, #tpu.memory_space<hbm>>
      %dma_start3A_204 = arith.constant 0 : i32
      %dma_start3A_205 = tpu.memref_slice %arg4[%add3A, %dma_start3A_204] : memref<32x65536xi32, #tpu.memory_space<hbm>> -> memref<1x65536xi32, #tpu.memory_space<hbm>>
      %dma_start3A_206 = tpu.memref_squeeze %dma_start3A_205 : memref<1x65536xi32, #tpu.memory_space<hbm>> -> memref<65536xi32, #tpu.memory_space<hbm>>
      tpu.enqueue_dma source(%arg7 : memref<65536xi32, #tpu.memory_space<vmem>>) target(%dma_start3A_206 : memref<65536xi32, #tpu.memory_space<hbm>>) target_semaphore(%run_scoped3A : memref<!tpu.dma_semaphore, #tpu.memory_space<semaphore_mem>>)
      %dma_wait3A_207 = arith.constant 0 : i32
      %dma_wait3A_208 = tpu.memref_slice %arg4[%add3A, %dma_wait3A_207] : memref<32x65536xi32, #tpu.memory_space<hbm>> -> memref<1x65536xi32, #tpu.memory_space<hbm>>
      %dma_wait3A_209 = tpu.memref_squeeze %dma_wait3A_208 : memref<1x65536xi32, #tpu.memory_space<hbm>> -> memref<65536xi32, #tpu.memory_space<hbm>>
      %dma_wait3A_210 = arith.constant 0 : i32
      %dma_wait3A_211 = tpu.memref_slice %arg4[%add3A, %dma_wait3A_210] : memref<32x65536xi32, #tpu.memory_space<hbm>> -> memref<1x65536xi32, #tpu.memory_space<hbm>>
      %dma_wait3A_212 = tpu.memref_squeeze %dma_wait3A_211 : memref<1x65536xi32, #tpu.memory_space<hbm>> -> memref<65536xi32, #tpu.memory_space<hbm>>
      tpu.wait_dma2 semaphore(%run_scoped3A : memref<!tpu.dma_semaphore, #tpu.memory_space<semaphore_mem>>) src(%arg7 : memref<65536xi32, #tpu.memory_space<vmem>>) dst(%dma_wait3A_212 : memref<65536xi32, #tpu.memory_space<hbm>>)
      tpu.yield
    }) : () -> ()
    return
  }
}

#map = affine_map<(d0, d1) -> (0, 0)>
#map1 = affine_map<(d0, d1) -> (0)>
module attributes {stable_mosaic.version = 14 : i64} {
  func.func @hist_kernel(%arg0: i32, %arg1: i32, %arg2: memref<4096x4096xf32, #tpu.memory_space<hbm>>, %arg3: memref<16xi32, #tpu.memory_space<hbm>>, %arg4: memref<32x65536xi32, #tpu.memory_space<hbm>>, %arg5: memref<8x2048xf32, #tpu.memory_space<vmem>>, %arg6: memref<8x2048xf32, #tpu.memory_space<vmem>>, %arg7: memref<65536xi32, #tpu.memory_space<vmem>>, %arg8: memref<16xi32, #tpu.memory_space<vmem>>, %arg9: memref<!tpu.dma_semaphore, #tpu.memory_space<semaphore_mem>>, %arg10: memref<!tpu.dma_semaphore, #tpu.memory_space<semaphore_mem>>) attributes {dimension_semantics = [#tpu.dimension_semantics<core_parallel>, #tpu.dimension_semantics<subcore_parallel>], iteration_bounds = array<i64: 2, 16>, scalar_prefetch = 0 : i64, scratch_operands = 6 : i64, tpu.core_type = #tpu.core_type<sc_vector_subcore>, window_params = [{transform_indices = #map}, {transform_indices = #map1}, {transform_indices = #map}]} {
    %mul3A = arith.constant 2 : i32
    %mul3A_0 = arith.muli %arg1, %mul3A : i32
    %add3A = arith.addi %mul3A_0, %arg0 : i32
    %mul3A_1 = arith.constant 32 : i32
    %mul3A_2 = arith.muli %add3A, %mul3A_1 : i32
    %add3A_3 = arith.constant 0 : i32
    %add3A_4 = arith.addi %mul3A_2, %add3A_3 : i32
    %jit3A = arith.constant 2 : i32
    %div3A = arith.divsi %add3A_4, %jit3A : i32
    %sign3A = arith.constant 0 : i32
    %sign3A_5 = arith.cmpi sgt, %add3A_4, %sign3A : i32
    %sign3A_6 = arith.extui %sign3A_5 : i1 to i32
    %sign3A_7 = arith.constant 0 : i32
    %sign3A_8 = arith.cmpi slt, %add3A_4, %sign3A_7 : i32
    %sign3A_9 = arith.extui %sign3A_8 : i1 to i32
    %sign3A_10 = arith.subi %sign3A_6, %sign3A_9 : i32
    %sign3A_11 = arith.constant 0 : i32
    %sign3A_12 = arith.cmpi sgt, %jit3A, %sign3A_11 : i32
    %sign3A_13 = arith.extui %sign3A_12 : i1 to i32
    %sign3A_14 = arith.constant 0 : i32
    %sign3A_15 = arith.cmpi slt, %jit3A, %sign3A_14 : i32
    %sign3A_16 = arith.extui %sign3A_15 : i1 to i32
    %sign3A_17 = arith.subi %sign3A_13, %sign3A_16 : i32
    %ne3A = arith.cmpi ne, %sign3A_10, %sign3A_17 : i32
    %rem3A = arith.remsi %add3A_4, %jit3A : i32
    %ne3A_18 = arith.constant 0 : i32
    %ne3A_19 = arith.cmpi ne, %rem3A, %ne3A_18 : i32
    %and3A = arith.andi %ne3A, %ne3A_19 : i1
    %sub3A = arith.constant 1 : i32
    %sub3A_20 = arith.subi %div3A, %sub3A : i32
    %select_n3A = arith.select %and3A, %sub3A_20, %div3A : i32
    %mul3A_21 = arith.constant 8 : i32
    %mul3A_22 = arith.muli %select_n3A, %mul3A_21 : i32
    %jit3A_23 = arith.constant 2 : i32
    %eq3A = arith.constant 0 : i32
    %eq3A_24 = arith.cmpi eq, %jit3A_23, %eq3A : i32
    %jit3A_25 = arith.constant 1 : i32
    %select_n3A_26 = arith.select %eq3A_24, %jit3A_25, %jit3A_23 : i32
    %rem3A_27 = arith.remsi %add3A_4, %select_n3A_26 : i32
    %ne3A_28 = arith.constant 0 : i32
    %ne3A_29 = arith.cmpi ne, %rem3A_27, %ne3A_28 : i32
    %lt3A = arith.constant 0 : i32
    %lt3A_30 = arith.cmpi slt, %rem3A_27, %lt3A : i32
    %lt3A_31 = arith.constant 0 : i32
    %lt3A_32 = arith.cmpi slt, %select_n3A_26, %lt3A_31 : i32
    %ne3A_33 = arith.xori %lt3A_30, %lt3A_32 : i1
    %and3A_34 = arith.andi %ne3A_33, %ne3A_29 : i1
    %add3A_35 = arith.addi %rem3A_27, %select_n3A_26 : i32
    %select_n3A_36 = arith.select %and3A_34, %add3A_35, %rem3A_27 : i32
    %mul3A_37 = arith.constant 2048 : i32
    %mul3A_38 = arith.muli %select_n3A_36, %mul3A_37 : i32
    %dma_start3A = tpu.memref_slice %arg2[%mul3A_22, %mul3A_38] : memref<4096x4096xf32, #tpu.memory_space<hbm>> -> memref<8x2048xf32, #tpu.memory_space<hbm>>
    %dma_start3A_39 = tpu.memref_slice %arg2[%mul3A_22, %mul3A_38] : memref<4096x4096xf32, #tpu.memory_space<hbm>> -> memref<8x2048xf32, #tpu.memory_space<hbm>>
    tpu.enqueue_dma source(%dma_start3A_39 : memref<8x2048xf32, #tpu.memory_space<hbm>>) target(%arg5 : memref<8x2048xf32, #tpu.memory_space<vmem>>) target_semaphore(%arg9 : memref<!tpu.dma_semaphore, #tpu.memory_space<semaphore_mem>>)
    %mul3A_40 = arith.constant 32 : i32
    %mul3A_41 = arith.muli %add3A, %mul3A_40 : i32
    %add3A_42 = arith.constant 1 : i32
    %add3A_43 = arith.addi %mul3A_41, %add3A_42 : i32
    %jit3A_44 = arith.constant 2 : i32
    %div3A_45 = arith.divsi %add3A_43, %jit3A_44 : i32
    %sign3A_46 = arith.constant 0 : i32
    %sign3A_47 = arith.cmpi sgt, %add3A_43, %sign3A_46 : i32
    %sign3A_48 = arith.extui %sign3A_47 : i1 to i32
    %sign3A_49 = arith.constant 0 : i32
    %sign3A_50 = arith.cmpi slt, %add3A_43, %sign3A_49 : i32
    %sign3A_51 = arith.extui %sign3A_50 : i1 to i32
    %sign3A_52 = arith.subi %sign3A_48, %sign3A_51 : i32
    %sign3A_53 = arith.constant 0 : i32
    %sign3A_54 = arith.cmpi sgt, %jit3A_44, %sign3A_53 : i32
    %sign3A_55 = arith.extui %sign3A_54 : i1 to i32
    %sign3A_56 = arith.constant 0 : i32
    %sign3A_57 = arith.cmpi slt, %jit3A_44, %sign3A_56 : i32
    %sign3A_58 = arith.extui %sign3A_57 : i1 to i32
    %sign3A_59 = arith.subi %sign3A_55, %sign3A_58 : i32
    %ne3A_60 = arith.cmpi ne, %sign3A_52, %sign3A_59 : i32
    %rem3A_61 = arith.remsi %add3A_43, %jit3A_44 : i32
    %ne3A_62 = arith.constant 0 : i32
    %ne3A_63 = arith.cmpi ne, %rem3A_61, %ne3A_62 : i32
    %and3A_64 = arith.andi %ne3A_60, %ne3A_63 : i1
    %sub3A_65 = arith.constant 1 : i32
    %sub3A_66 = arith.subi %div3A_45, %sub3A_65 : i32
    %select_n3A_67 = arith.select %and3A_64, %sub3A_66, %div3A_45 : i32
    %mul3A_68 = arith.constant 8 : i32
    %mul3A_69 = arith.muli %select_n3A_67, %mul3A_68 : i32
    %jit3A_70 = arith.constant 2 : i32
    %eq3A_71 = arith.constant 0 : i32
    %eq3A_72 = arith.cmpi eq, %jit3A_70, %eq3A_71 : i32
    %jit3A_73 = arith.constant 1 : i32
    %select_n3A_74 = arith.select %eq3A_72, %jit3A_73, %jit3A_70 : i32
    %rem3A_75 = arith.remsi %add3A_43, %select_n3A_74 : i32
    %ne3A_76 = arith.constant 0 : i32
    %ne3A_77 = arith.cmpi ne, %rem3A_75, %ne3A_76 : i32
    %lt3A_78 = arith.constant 0 : i32
    %lt3A_79 = arith.cmpi slt, %rem3A_75, %lt3A_78 : i32
    %lt3A_80 = arith.constant 0 : i32
    %lt3A_81 = arith.cmpi slt, %select_n3A_74, %lt3A_80 : i32
    %ne3A_82 = arith.xori %lt3A_79, %lt3A_81 : i1
    %and3A_83 = arith.andi %ne3A_82, %ne3A_77 : i1
    %add3A_84 = arith.addi %rem3A_75, %select_n3A_74 : i32
    %select_n3A_85 = arith.select %and3A_83, %add3A_84, %rem3A_75 : i32
    %mul3A_86 = arith.constant 2048 : i32
    %mul3A_87 = arith.muli %select_n3A_85, %mul3A_86 : i32
    %dma_start3A_88 = tpu.memref_slice %arg2[%mul3A_69, %mul3A_87] : memref<4096x4096xf32, #tpu.memory_space<hbm>> -> memref<8x2048xf32, #tpu.memory_space<hbm>>
    %dma_start3A_89 = tpu.memref_slice %arg2[%mul3A_69, %mul3A_87] : memref<4096x4096xf32, #tpu.memory_space<hbm>> -> memref<8x2048xf32, #tpu.memory_space<hbm>>
    tpu.enqueue_dma source(%dma_start3A_89 : memref<8x2048xf32, #tpu.memory_space<hbm>>) target(%arg6 : memref<8x2048xf32, #tpu.memory_space<vmem>>) target_semaphore(%arg10 : memref<!tpu.dma_semaphore, #tpu.memory_space<semaphore_mem>>)
    %broadcast_in_dim3A = arith.constant 0 : i32
    %broadcast_in_dim3A_90 = vector.broadcast %broadcast_in_dim3A : i32 to vector<16xi32>
    %parallel_loop3A = arith.constant 0 : i32
    %parallel_loop3A_91 = arith.constant 4096 : i32
    %parallel_loop3A_92 = arith.constant 1 : i32
    scf.for %parallel_loop3A_201 = %parallel_loop3A to %parallel_loop3A_91 step %parallel_loop3A_92  : i32 {
      %parallel_loop3A_202 = arith.constant 16 : i32
      %parallel_loop3A_203 = arith.muli %parallel_loop3A_201, %parallel_loop3A_202 : i32
      %parallel_loop3A_204 = arith.index_cast %parallel_loop3A_203 : i32 to index
      %parallel_loop3A_205 = tpu.vector_load %arg7[%parallel_loop3A_204] {strides = array<i32>} : memref<65536xi32, #tpu.memory_space<vmem>>, vector<16xi32>,
      tpu.vector_store %arg7[%parallel_loop3A_204], %broadcast_in_dim3A_90 {strides = array<i32>} : memref<65536xi32, #tpu.memory_space<vmem>>, vector<16xi32>,
    } {sc.loop_unroll_factor = 8 : i64, sc.parallel_access}
    "tpu.region"() ({
      %run_scoped3A = tpu.sem_alloc : memref<!tpu.dma_semaphore, #tpu.memory_space<semaphore_mem>>
      tpu.enqueue_dma source(%arg3 : memref<16xi32, #tpu.memory_space<hbm>>) target(%arg8 : memref<16xi32, #tpu.memory_space<vmem>>) target_semaphore(%run_scoped3A : memref<!tpu.dma_semaphore, #tpu.memory_space<semaphore_mem>>)
      tpu.wait_dma2 semaphore(%run_scoped3A : memref<!tpu.dma_semaphore, #tpu.memory_space<semaphore_mem>>) src(%arg3 : memref<16xi32, #tpu.memory_space<hbm>>) dst(%arg8 : memref<16xi32, #tpu.memory_space<vmem>>)
      tpu.yield
    }) : () -> ()
    %get3A = arith.constant 0 : index
    %get3A_93 = tpu.vector_load %arg8[%get3A] {strides = array<i32>} : memref<16xi32, #tpu.memory_space<vmem>>, vector<16xi32>,
    %broadcast_in_dim3A_94 = arith.constant 1 : i32
    %broadcast_in_dim3A_95 = vector.broadcast %broadcast_in_dim3A_94 : i32 to vector<16xi32>
    %scan3A = arith.constant 0 : i32
    %scan3A_96 = arith.constant 0 : i32
    %scan3A_97 = arith.constant 16 : i32
    %scan3A_98 = arith.addi %scan3A_96, %scan3A_97 : i32
    %scan3A_99 = arith.constant 1 : i32
    %scan3A_100 = scf.for %scan3A_201 = %scan3A_96 to %scan3A_98 step %scan3A_99 iter_args(%scan3A_202 = %scan3A) -> (i32)  : i32 {
      %mul3A_203 = arith.constant 2 : i32
      %mul3A_204 = arith.muli %mul3A_203, %scan3A_201 : i32
      %mul3A_205 = arith.constant 32 : i32
      %mul3A_206 = arith.muli %add3A, %mul3A_205 : i32
      %add3A_207 = arith.addi %mul3A_206, %mul3A_204 : i32
      %jit3A_208 = arith.constant 2 : i32
      %div3A_209 = arith.divsi %add3A_207, %jit3A_208 : i32
      %sign3A_210 = arith.constant 0 : i32
      %sign3A_211 = arith.cmpi sgt, %add3A_207, %sign3A_210 : i32
      %sign3A_212 = arith.extui %sign3A_211 : i1 to i32
      %sign3A_213 = arith.constant 0 : i32
      %sign3A_214 = arith.cmpi slt, %add3A_207, %sign3A_213 : i32
      %sign3A_215 = arith.extui %sign3A_214 : i1 to i32
      %sign3A_216 = arith.subi %sign3A_212, %sign3A_215 : i32
      %sign3A_217 = arith.constant 0 : i32
      %sign3A_218 = arith.cmpi sgt, %jit3A_208, %sign3A_217 : i32
      %sign3A_219 = arith.extui %sign3A_218 : i1 to i32
      %sign3A_220 = arith.constant 0 : i32
      %sign3A_221 = arith.cmpi slt, %jit3A_208, %sign3A_220 : i32
      %sign3A_222 = arith.extui %sign3A_221 : i1 to i32
      %sign3A_223 = arith.subi %sign3A_219, %sign3A_222 : i32
      %ne3A_224 = arith.cmpi ne, %sign3A_216, %sign3A_223 : i32
      %rem3A_225 = arith.remsi %add3A_207, %jit3A_208 : i32
      %ne3A_226 = arith.constant 0 : i32
      %ne3A_227 = arith.cmpi ne, %rem3A_225, %ne3A_226 : i32
      %and3A_228 = arith.andi %ne3A_224, %ne3A_227 : i1
      %sub3A_229 = arith.constant 1 : i32
      %sub3A_230 = arith.subi %div3A_209, %sub3A_229 : i32
      %select_n3A_231 = arith.select %and3A_228, %sub3A_230, %div3A_209 : i32
      %mul3A_232 = arith.constant 8 : i32
      %mul3A_233 = arith.muli %select_n3A_231, %mul3A_232 : i32
      %jit3A_234 = arith.constant 2 : i32
      %eq3A_235 = arith.constant 0 : i32
      %eq3A_236 = arith.cmpi eq, %jit3A_234, %eq3A_235 : i32
      %jit3A_237 = arith.constant 1 : i32
      %select_n3A_238 = arith.select %eq3A_236, %jit3A_237, %jit3A_234 : i32
      %rem3A_239 = arith.remsi %add3A_207, %select_n3A_238 : i32
      %ne3A_240 = arith.constant 0 : i32
      %ne3A_241 = arith.cmpi ne, %rem3A_239, %ne3A_240 : i32
      %lt3A_242 = arith.constant 0 : i32
      %lt3A_243 = arith.cmpi slt, %rem3A_239, %lt3A_242 : i32
      %lt3A_244 = arith.constant 0 : i32
      %lt3A_245 = arith.cmpi slt, %select_n3A_238, %lt3A_244 : i32
      %ne3A_246 = arith.xori %lt3A_243, %lt3A_245 : i1
      %and3A_247 = arith.andi %ne3A_246, %ne3A_241 : i1
      %add3A_248 = arith.addi %rem3A_239, %select_n3A_238 : i32
      %select_n3A_249 = arith.select %and3A_247, %add3A_248, %rem3A_239 : i32
      %mul3A_250 = arith.constant 2048 : i32
      %mul3A_251 = arith.muli %select_n3A_249, %mul3A_250 : i32
      %dma_wait3A_252 = tpu.memref_slice %arg2[%mul3A_233, %mul3A_251] : memref<4096x4096xf32, #tpu.memory_space<hbm>> -> memref<8x2048xf32, #tpu.memory_space<hbm>>
      %dma_wait3A_253 = tpu.memref_slice %arg2[%mul3A_233, %mul3A_251] : memref<4096x4096xf32, #tpu.memory_space<hbm>> -> memref<8x2048xf32, #tpu.memory_space<hbm>>
      tpu.wait_dma2 semaphore(%arg9 : memref<!tpu.dma_semaphore, #tpu.memory_space<semaphore_mem>>) src(%dma_wait3A_253 : memref<8x2048xf32, #tpu.memory_space<hbm>>) dst(%arg5 : memref<8x2048xf32, #tpu.memory_space<vmem>>)
      %parallel_loop3A_254 = arith.constant 0 : i32
      %parallel_loop3A_255 = arith.constant 1024 : i32
      %parallel_loop3A_256 = arith.constant 1 : i32
      scf.for %parallel_loop3A_417 = %parallel_loop3A_254 to %parallel_loop3A_255 step %parallel_loop3A_256  : i32 {
        %parallel_loop3A_418 = arith.constant 7 : i32
        %parallel_loop3A_419 = arith.shrui %parallel_loop3A_417, %parallel_loop3A_418 : i32
        %parallel_loop3A_420 = arith.constant 127 : i32
        %parallel_loop3A_421 = arith.andi %parallel_loop3A_417, %parallel_loop3A_420 : i32
        %parallel_loop3A_422 = arith.constant 16 : i32
        %parallel_loop3A_423 = arith.muli %parallel_loop3A_421, %parallel_loop3A_422 : i32
        %parallel_loop3A_424 = arith.index_cast %parallel_loop3A_419 : i32 to index
        %parallel_loop3A_425 = arith.index_cast %parallel_loop3A_423 : i32 to index
        %parallel_loop3A_426 = tpu.vector_load %arg5[%parallel_loop3A_424, %parallel_loop3A_425] {strides = array<i32>} : memref<8x2048xf32, #tpu.memory_space<vmem>>, vector<16xf32>,
        %parallel_loop3A_427 = tpu.bitcast %parallel_loop3A_426 : vector<16xf32> -> vector<16xi32>
        %parallel_loop3A_428 = arith.constant 65535 : i32
        %parallel_loop3A_429 = vector.broadcast %parallel_loop3A_428 : i32 to vector<16xi32>
        %parallel_loop3A_430 = arith.andi %parallel_loop3A_427, %parallel_loop3A_429 : vector<16xi32>
        %parallel_loop3A_431 = arith.constant -65536 : i32
        %parallel_loop3A_432 = vector.broadcast %parallel_loop3A_431 : i32 to vector<16xi32>
        %parallel_loop3A_433 = arith.andi %parallel_loop3A_427, %parallel_loop3A_432 : vector<16xi32>
        %parallel_loop3A_434 = arith.cmpi eq, %parallel_loop3A_433, %get3A_93 : vector<16xi32>
        %parallel_loop3A_435 = tpu.bitcast %parallel_loop3A_430 : vector<16xi32> -> vector<16xi32>
        tpu.vector_store_idx %arg7[%parallel_loop3A_435], %broadcast_in_dim3A_95 masked %parallel_loop3A_434 {add = true} : memref<65536xi32, #tpu.memory_space<vmem>>[vector<16xi32>], vector<16xi32>, vector<16xi1>
      } {sc.loop_unroll_factor = 16 : i64, sc.parallel_access}
      %add3A_257 = arith.constant 2 : i32
      %add3A_258 = arith.addi %mul3A_204, %add3A_257 : i32
      %min3A = arith.constant 31 : i32
      %min3A_259 = arith.minsi %add3A_258, %min3A : i32
      %mul3A_260 = arith.constant 32 : i32
      %mul3A_261 = arith.muli %add3A, %mul3A_260 : i32
      %add3A_262 = arith.addi %mul3A_261, %min3A_259 : i32
      %jit3A_263 = arith.constant 2 : i32
      %div3A_264 = arith.divsi %add3A_262, %jit3A_263 : i32
      %sign3A_265 = arith.constant 0 : i32
      %sign3A_266 = arith.cmpi sgt, %add3A_262, %sign3A_265 : i32
      %sign3A_267 = arith.extui %sign3A_266 : i1 to i32
      %sign3A_268 = arith.constant 0 : i32
      %sign3A_269 = arith.cmpi slt, %add3A_262, %sign3A_268 : i32
      %sign3A_270 = arith.extui %sign3A_269 : i1 to i32
      %sign3A_271 = arith.subi %sign3A_267, %sign3A_270 : i32
      %sign3A_272 = arith.constant 0 : i32
      %sign3A_273 = arith.cmpi sgt, %jit3A_263, %sign3A_272 : i32
      %sign3A_274 = arith.extui %sign3A_273 : i1 to i32
      %sign3A_275 = arith.constant 0 : i32
      %sign3A_276 = arith.cmpi slt, %jit3A_263, %sign3A_275 : i32
      %sign3A_277 = arith.extui %sign3A_276 : i1 to i32
      %sign3A_278 = arith.subi %sign3A_274, %sign3A_277 : i32
      %ne3A_279 = arith.cmpi ne, %sign3A_271, %sign3A_278 : i32
      %rem3A_280 = arith.remsi %add3A_262, %jit3A_263 : i32
      %ne3A_281 = arith.constant 0 : i32
      %ne3A_282 = arith.cmpi ne, %rem3A_280, %ne3A_281 : i32
      %and3A_283 = arith.andi %ne3A_279, %ne3A_282 : i1
      %sub3A_284 = arith.constant 1 : i32
      %sub3A_285 = arith.subi %div3A_264, %sub3A_284 : i32
      %select_n3A_286 = arith.select %and3A_283, %sub3A_285, %div3A_264 : i32
      %mul3A_287 = arith.constant 8 : i32
      %mul3A_288 = arith.muli %select_n3A_286, %mul3A_287 : i32
      %jit3A_289 = arith.constant 2 : i32
      %eq3A_290 = arith.constant 0 : i32
      %eq3A_291 = arith.cmpi eq, %jit3A_289, %eq3A_290 : i32
      %jit3A_292 = arith.constant 1 : i32
      %select_n3A_293 = arith.select %eq3A_291, %jit3A_292, %jit3A_289 : i32
      %rem3A_294 = arith.remsi %add3A_262, %select_n3A_293 : i32
      %ne3A_295 = arith.constant 0 : i32
      %ne3A_296 = arith.cmpi ne, %rem3A_294, %ne3A_295 : i32
      %lt3A_297 = arith.constant 0 : i32
      %lt3A_298 = arith.cmpi slt, %rem3A_294, %lt3A_297 : i32
      %lt3A_299 = arith.constant 0 : i32
      %lt3A_300 = arith.cmpi slt, %select_n3A_293, %lt3A_299 : i32
      %ne3A_301 = arith.xori %lt3A_298, %lt3A_300 : i1
      %and3A_302 = arith.andi %ne3A_301, %ne3A_296 : i1
      %add3A_303 = arith.addi %rem3A_294, %select_n3A_293 : i32
      %select_n3A_304 = arith.select %and3A_302, %add3A_303, %rem3A_294 : i32
      %mul3A_305 = arith.constant 2048 : i32
      %mul3A_306 = arith.muli %select_n3A_304, %mul3A_305 : i32
      %dma_start3A_307 = tpu.memref_slice %arg2[%mul3A_288, %mul3A_306] : memref<4096x4096xf32, #tpu.memory_space<hbm>> -> memref<8x2048xf32, #tpu.memory_space<hbm>>
      %dma_start3A_308 = tpu.memref_slice %arg2[%mul3A_288, %mul3A_306] : memref<4096x4096xf32, #tpu.memory_space<hbm>> -> memref<8x2048xf32, #tpu.memory_space<hbm>>
      tpu.enqueue_dma source(%dma_start3A_308 : memref<8x2048xf32, #tpu.memory_space<hbm>>) target(%arg5 : memref<8x2048xf32, #tpu.memory_space<vmem>>) target_semaphore(%arg9 : memref<!tpu.dma_semaphore, #tpu.memory_space<semaphore_mem>>)
      %add3A_309 = arith.constant 1 : i32
      %add3A_310 = arith.addi %mul3A_204, %add3A_309 : i32
      %mul3A_311 = arith.constant 32 : i32
      %mul3A_312 = arith.muli %add3A, %mul3A_311 : i32
      %add3A_313 = arith.addi %mul3A_312, %add3A_310 : i32
      %jit3A_314 = arith.constant 2 : i32
      %div3A_315 = arith.divsi %add3A_313, %jit3A_314 : i32
      %sign3A_316 = arith.constant 0 : i32
      %sign3A_317 = arith.cmpi sgt, %add3A_313, %sign3A_316 : i32
      %sign3A_318 = arith.extui %sign3A_317 : i1 to i32
      %sign3A_319 = arith.constant 0 : i32
      %sign3A_320 = arith.cmpi slt, %add3A_313, %sign3A_319 : i32
      %sign3A_321 = arith.extui %sign3A_320 : i1 to i32
      %sign3A_322 = arith.subi %sign3A_318, %sign3A_321 : i32
      %sign3A_323 = arith.constant 0 : i32
      %sign3A_324 = arith.cmpi sgt, %jit3A_314, %sign3A_323 : i32
      %sign3A_325 = arith.extui %sign3A_324 : i1 to i32
      %sign3A_326 = arith.constant 0 : i32
      %sign3A_327 = arith.cmpi slt, %jit3A_314, %sign3A_326 : i32
      %sign3A_328 = arith.extui %sign3A_327 : i1 to i32
      %sign3A_329 = arith.subi %sign3A_325, %sign3A_328 : i32
      %ne3A_330 = arith.cmpi ne, %sign3A_322, %sign3A_329 : i32
      %rem3A_331 = arith.remsi %add3A_313, %jit3A_314 : i32
      %ne3A_332 = arith.constant 0 : i32
      %ne3A_333 = arith.cmpi ne, %rem3A_331, %ne3A_332 : i32
      %and3A_334 = arith.andi %ne3A_330, %ne3A_333 : i1
      %sub3A_335 = arith.constant 1 : i32
      %sub3A_336 = arith.subi %div3A_315, %sub3A_335 : i32
      %select_n3A_337 = arith.select %and3A_334, %sub3A_336, %div3A_315 : i32
      %mul3A_338 = arith.constant 8 : i32
      %mul3A_339 = arith.muli %select_n3A_337, %mul3A_338 : i32
      %jit3A_340 = arith.constant 2 : i32
      %eq3A_341 = arith.constant 0 : i32
      %eq3A_342 = arith.cmpi eq, %jit3A_340, %eq3A_341 : i32
      %jit3A_343 = arith.constant 1 : i32
      %select_n3A_344 = arith.select %eq3A_342, %jit3A_343, %jit3A_340 : i32
      %rem3A_345 = arith.remsi %add3A_313, %select_n3A_344 : i32
      %ne3A_346 = arith.constant 0 : i32
      %ne3A_347 = arith.cmpi ne, %rem3A_345, %ne3A_346 : i32
      %lt3A_348 = arith.constant 0 : i32
      %lt3A_349 = arith.cmpi slt, %rem3A_345, %lt3A_348 : i32
      %lt3A_350 = arith.constant 0 : i32
      %lt3A_351 = arith.cmpi slt, %select_n3A_344, %lt3A_350 : i32
      %ne3A_352 = arith.xori %lt3A_349, %lt3A_351 : i1
      %and3A_353 = arith.andi %ne3A_352, %ne3A_347 : i1
      %add3A_354 = arith.addi %rem3A_345, %select_n3A_344 : i32
      %select_n3A_355 = arith.select %and3A_353, %add3A_354, %rem3A_345 : i32
      %mul3A_356 = arith.constant 2048 : i32
      %mul3A_357 = arith.muli %select_n3A_355, %mul3A_356 : i32
      %dma_wait3A_358 = tpu.memref_slice %arg2[%mul3A_339, %mul3A_357] : memref<4096x4096xf32, #tpu.memory_space<hbm>> -> memref<8x2048xf32, #tpu.memory_space<hbm>>
      %dma_wait3A_359 = tpu.memref_slice %arg2[%mul3A_339, %mul3A_357] : memref<4096x4096xf32, #tpu.memory_space<hbm>> -> memref<8x2048xf32, #tpu.memory_space<hbm>>
      tpu.wait_dma2 semaphore(%arg10 : memref<!tpu.dma_semaphore, #tpu.memory_space<semaphore_mem>>) src(%dma_wait3A_359 : memref<8x2048xf32, #tpu.memory_space<hbm>>) dst(%arg6 : memref<8x2048xf32, #tpu.memory_space<vmem>>)
      %parallel_loop3A_360 = arith.constant 0 : i32
      %parallel_loop3A_361 = arith.constant 1024 : i32
      %parallel_loop3A_362 = arith.constant 1 : i32
      scf.for %parallel_loop3A_417 = %parallel_loop3A_360 to %parallel_loop3A_361 step %parallel_loop3A_362  : i32 {
        %parallel_loop3A_418 = arith.constant 7 : i32
        %parallel_loop3A_419 = arith.shrui %parallel_loop3A_417, %parallel_loop3A_418 : i32
        %parallel_loop3A_420 = arith.constant 127 : i32
        %parallel_loop3A_421 = arith.andi %parallel_loop3A_417, %parallel_loop3A_420 : i32
        %parallel_loop3A_422 = arith.constant 16 : i32
        %parallel_loop3A_423 = arith.muli %parallel_loop3A_421, %parallel_loop3A_422 : i32
        %parallel_loop3A_424 = arith.index_cast %parallel_loop3A_419 : i32 to index
        %parallel_loop3A_425 = arith.index_cast %parallel_loop3A_423 : i32 to index
        %parallel_loop3A_426 = tpu.vector_load %arg6[%parallel_loop3A_424, %parallel_loop3A_425] {strides = array<i32>} : memref<8x2048xf32, #tpu.memory_space<vmem>>, vector<16xf32>,
        %parallel_loop3A_427 = tpu.bitcast %parallel_loop3A_426 : vector<16xf32> -> vector<16xi32>
        %parallel_loop3A_428 = arith.constant 65535 : i32
        %parallel_loop3A_429 = vector.broadcast %parallel_loop3A_428 : i32 to vector<16xi32>
        %parallel_loop3A_430 = arith.andi %parallel_loop3A_427, %parallel_loop3A_429 : vector<16xi32>
        %parallel_loop3A_431 = arith.constant -65536 : i32
        %parallel_loop3A_432 = vector.broadcast %parallel_loop3A_431 : i32 to vector<16xi32>
        %parallel_loop3A_433 = arith.andi %parallel_loop3A_427, %parallel_loop3A_432 : vector<16xi32>
        %parallel_loop3A_434 = arith.cmpi eq, %parallel_loop3A_433, %get3A_93 : vector<16xi32>
        %parallel_loop3A_435 = tpu.bitcast %parallel_loop3A_430 : vector<16xi32> -> vector<16xi32>
        tpu.vector_store_idx %arg7[%parallel_loop3A_435], %broadcast_in_dim3A_95 masked %parallel_loop3A_434 {add = true} : memref<65536xi32, #tpu.memory_space<vmem>>[vector<16xi32>], vector<16xi32>, vector<16xi1>
      } {sc.loop_unroll_factor = 16 : i64, sc.parallel_access}
      %add3A_363 = arith.constant 3 : i32
      %add3A_364 = arith.addi %mul3A_204, %add3A_363 : i32
      %min3A_365 = arith.constant 31 : i32
      %min3A_366 = arith.minsi %add3A_364, %min3A_365 : i32
      %mul3A_367 = arith.constant 32 : i32
      %mul3A_368 = arith.muli %add3A, %mul3A_367 : i32
      %add3A_369 = arith.addi %mul3A_368, %min3A_366 : i32
      %jit3A_370 = arith.constant 2 : i32
      %div3A_371 = arith.divsi %add3A_369, %jit3A_370 : i32
      %sign3A_372 = arith.constant 0 : i32
      %sign3A_373 = arith.cmpi sgt, %add3A_369, %sign3A_372 : i32
      %sign3A_374 = arith.extui %sign3A_373 : i1 to i32
      %sign3A_375 = arith.constant 0 : i32
      %sign3A_376 = arith.cmpi slt, %add3A_369, %sign3A_375 : i32
      %sign3A_377 = arith.extui %sign3A_376 : i1 to i32
      %sign3A_378 = arith.subi %sign3A_374, %sign3A_377 : i32
      %sign3A_379 = arith.constant 0 : i32
      %sign3A_380 = arith.cmpi sgt, %jit3A_370, %sign3A_379 : i32
      %sign3A_381 = arith.extui %sign3A_380 : i1 to i32
      %sign3A_382 = arith.constant 0 : i32
      %sign3A_383 = arith.cmpi slt, %jit3A_370, %sign3A_382 : i32
      %sign3A_384 = arith.extui %sign3A_383 : i1 to i32
      %sign3A_385 = arith.subi %sign3A_381, %sign3A_384 : i32
      %ne3A_386 = arith.cmpi ne, %sign3A_378, %sign3A_385 : i32
      %rem3A_387 = arith.remsi %add3A_369, %jit3A_370 : i32
      %ne3A_388 = arith.constant 0 : i32
      %ne3A_389 = arith.cmpi ne, %rem3A_387, %ne3A_388 : i32
      %and3A_390 = arith.andi %ne3A_386, %ne3A_389 : i1
      %sub3A_391 = arith.constant 1 : i32
      %sub3A_392 = arith.subi %div3A_371, %sub3A_391 : i32
      %select_n3A_393 = arith.select %and3A_390, %sub3A_392, %div3A_371 : i32
      %mul3A_394 = arith.constant 8 : i32
      %mul3A_395 = arith.muli %select_n3A_393, %mul3A_394 : i32
      %jit3A_396 = arith.constant 2 : i32
      %eq3A_397 = arith.constant 0 : i32
      %eq3A_398 = arith.cmpi eq, %jit3A_396, %eq3A_397 : i32
      %jit3A_399 = arith.constant 1 : i32
      %select_n3A_400 = arith.select %eq3A_398, %jit3A_399, %jit3A_396 : i32
      %rem3A_401 = arith.remsi %add3A_369, %select_n3A_400 : i32
      %ne3A_402 = arith.constant 0 : i32
      %ne3A_403 = arith.cmpi ne, %rem3A_401, %ne3A_402 : i32
      %lt3A_404 = arith.constant 0 : i32
      %lt3A_405 = arith.cmpi slt, %rem3A_401, %lt3A_404 : i32
      %lt3A_406 = arith.constant 0 : i32
      %lt3A_407 = arith.cmpi slt, %select_n3A_400, %lt3A_406 : i32
      %ne3A_408 = arith.xori %lt3A_405, %lt3A_407 : i1
      %and3A_409 = arith.andi %ne3A_408, %ne3A_403 : i1
      %add3A_410 = arith.addi %rem3A_401, %select_n3A_400 : i32
      %select_n3A_411 = arith.select %and3A_409, %add3A_410, %rem3A_401 : i32
      %mul3A_412 = arith.constant 2048 : i32
      %mul3A_413 = arith.muli %select_n3A_411, %mul3A_412 : i32
      %dma_start3A_414 = tpu.memref_slice %arg2[%mul3A_395, %mul3A_413] : memref<4096x4096xf32, #tpu.memory_space<hbm>> -> memref<8x2048xf32, #tpu.memory_space<hbm>>
      %dma_start3A_415 = tpu.memref_slice %arg2[%mul3A_395, %mul3A_413] : memref<4096x4096xf32, #tpu.memory_space<hbm>> -> memref<8x2048xf32, #tpu.memory_space<hbm>>
      tpu.enqueue_dma source(%dma_start3A_415 : memref<8x2048xf32, #tpu.memory_space<hbm>>) target(%arg6 : memref<8x2048xf32, #tpu.memory_space<vmem>>) target_semaphore(%arg10 : memref<!tpu.dma_semaphore, #tpu.memory_space<semaphore_mem>>)
      %scan3A_416 = arith.constant 0 : i32
      scf.yield %scan3A_416 : i32
    }
    %scan3A_101 = arith.constant 16 : i32
    %mul3A_102 = arith.constant 32 : i32
    %mul3A_103 = arith.muli %add3A, %mul3A_102 : i32
    %add3A_104 = arith.constant 31 : i32
    %add3A_105 = arith.addi %mul3A_103, %add3A_104 : i32
    %jit3A_106 = arith.constant 2 : i32
    %div3A_107 = arith.divsi %add3A_105, %jit3A_106 : i32
    %sign3A_108 = arith.constant 0 : i32
    %sign3A_109 = arith.cmpi sgt, %add3A_105, %sign3A_108 : i32
    %sign3A_110 = arith.extui %sign3A_109 : i1 to i32
    %sign3A_111 = arith.constant 0 : i32
    %sign3A_112 = arith.cmpi slt, %add3A_105, %sign3A_111 : i32
    %sign3A_113 = arith.extui %sign3A_112 : i1 to i32
    %sign3A_114 = arith.subi %sign3A_110, %sign3A_113 : i32
    %sign3A_115 = arith.constant 0 : i32
    %sign3A_116 = arith.cmpi sgt, %jit3A_106, %sign3A_115 : i32
    %sign3A_117 = arith.extui %sign3A_116 : i1 to i32
    %sign3A_118 = arith.constant 0 : i32
    %sign3A_119 = arith.cmpi slt, %jit3A_106, %sign3A_118 : i32
    %sign3A_120 = arith.extui %sign3A_119 : i1 to i32
    %sign3A_121 = arith.subi %sign3A_117, %sign3A_120 : i32
    %ne3A_122 = arith.cmpi ne, %sign3A_114, %sign3A_121 : i32
    %rem3A_123 = arith.remsi %add3A_105, %jit3A_106 : i32
    %ne3A_124 = arith.constant 0 : i32
    %ne3A_125 = arith.cmpi ne, %rem3A_123, %ne3A_124 : i32
    %and3A_126 = arith.andi %ne3A_122, %ne3A_125 : i1
    %sub3A_127 = arith.constant 1 : i32
    %sub3A_128 = arith.subi %div3A_107, %sub3A_127 : i32
    %select_n3A_129 = arith.select %and3A_126, %sub3A_128, %div3A_107 : i32
    %mul3A_130 = arith.constant 8 : i32
    %mul3A_131 = arith.muli %select_n3A_129, %mul3A_130 : i32
    %jit3A_132 = arith.constant 2 : i32
    %eq3A_133 = arith.constant 0 : i32
    %eq3A_134 = arith.cmpi eq, %jit3A_132, %eq3A_133 : i32
    %jit3A_135 = arith.constant 1 : i32
    %select_n3A_136 = arith.select %eq3A_134, %jit3A_135, %jit3A_132 : i32
    %rem3A_137 = arith.remsi %add3A_105, %select_n3A_136 : i32
    %ne3A_138 = arith.constant 0 : i32
    %ne3A_139 = arith.cmpi ne, %rem3A_137, %ne3A_138 : i32
    %lt3A_140 = arith.constant 0 : i32
    %lt3A_141 = arith.cmpi slt, %rem3A_137, %lt3A_140 : i32
    %lt3A_142 = arith.constant 0 : i32
    %lt3A_143 = arith.cmpi slt, %select_n3A_136, %lt3A_142 : i32
    %ne3A_144 = arith.xori %lt3A_141, %lt3A_143 : i1
    %and3A_145 = arith.andi %ne3A_144, %ne3A_139 : i1
    %add3A_146 = arith.addi %rem3A_137, %select_n3A_136 : i32
    %select_n3A_147 = arith.select %and3A_145, %add3A_146, %rem3A_137 : i32
    %mul3A_148 = arith.constant 2048 : i32
    %mul3A_149 = arith.muli %select_n3A_147, %mul3A_148 : i32
    %dma_wait3A = tpu.memref_slice %arg2[%mul3A_131, %mul3A_149] : memref<4096x4096xf32, #tpu.memory_space<hbm>> -> memref<8x2048xf32, #tpu.memory_space<hbm>>
    %dma_wait3A_150 = tpu.memref_slice %arg2[%mul3A_131, %mul3A_149] : memref<4096x4096xf32, #tpu.memory_space<hbm>> -> memref<8x2048xf32, #tpu.memory_space<hbm>>
    tpu.wait_dma2 semaphore(%arg9 : memref<!tpu.dma_semaphore, #tpu.memory_space<semaphore_mem>>) src(%dma_wait3A_150 : memref<8x2048xf32, #tpu.memory_space<hbm>>) dst(%arg5 : memref<8x2048xf32, #tpu.memory_space<vmem>>)
    %mul3A_151 = arith.constant 32 : i32
    %mul3A_152 = arith.muli %add3A, %mul3A_151 : i32
    %add3A_153 = arith.constant 31 : i32
    %add3A_154 = arith.addi %mul3A_152, %add3A_153 : i32
    %jit3A_155 = arith.constant 2 : i32
    %div3A_156 = arith.divsi %add3A_154, %jit3A_155 : i32
    %sign3A_157 = arith.constant 0 : i32
    %sign3A_158 = arith.cmpi sgt, %add3A_154, %sign3A_157 : i32
    %sign3A_159 = arith.extui %sign3A_158 : i1 to i32
    %sign3A_160 = arith.constant 0 : i32
    %sign3A_161 = arith.cmpi slt, %add3A_154, %sign3A_160 : i32
    %sign3A_162 = arith.extui %sign3A_161 : i1 to i32
    %sign3A_163 = arith.subi %sign3A_159, %sign3A_162 : i32
    %sign3A_164 = arith.constant 0 : i32
    %sign3A_165 = arith.cmpi sgt, %jit3A_155, %sign3A_164 : i32
    %sign3A_166 = arith.extui %sign3A_165 : i1 to i32
    %sign3A_167 = arith.constant 0 : i32
    %sign3A_168 = arith.cmpi slt, %jit3A_155, %sign3A_167 : i32
    %sign3A_169 = arith.extui %sign3A_168 : i1 to i32
    %sign3A_170 = arith.subi %sign3A_166, %sign3A_169 : i32
    %ne3A_171 = arith.cmpi ne, %sign3A_163, %sign3A_170 : i32
    %rem3A_172 = arith.remsi %add3A_154, %jit3A_155 : i32
    %ne3A_173 = arith.constant 0 : i32
    %ne3A_174 = arith.cmpi ne, %rem3A_172, %ne3A_173 : i32
    %and3A_175 = arith.andi %ne3A_171, %ne3A_174 : i1
    %sub3A_176 = arith.constant 1 : i32
    %sub3A_177 = arith.subi %div3A_156, %sub3A_176 : i32
    %select_n3A_178 = arith.select %and3A_175, %sub3A_177, %div3A_156 : i32
    %mul3A_179 = arith.constant 8 : i32
    %mul3A_180 = arith.muli %select_n3A_178, %mul3A_179 : i32
    %jit3A_181 = arith.constant 2 : i32
    %eq3A_182 = arith.constant 0 : i32
    %eq3A_183 = arith.cmpi eq, %jit3A_181, %eq3A_182 : i32
    %jit3A_184 = arith.constant 1 : i32
    %select_n3A_185 = arith.select %eq3A_183, %jit3A_184, %jit3A_181 : i32
    %rem3A_186 = arith.remsi %add3A_154, %select_n3A_185 : i32
    %ne3A_187 = arith.constant 0 : i32
    %ne3A_188 = arith.cmpi ne, %rem3A_186, %ne3A_187 : i32
    %lt3A_189 = arith.constant 0 : i32
    %lt3A_190 = arith.cmpi slt, %rem3A_186, %lt3A_189 : i32
    %lt3A_191 = arith.constant 0 : i32
    %lt3A_192 = arith.cmpi slt, %select_n3A_185, %lt3A_191 : i32
    %ne3A_193 = arith.xori %lt3A_190, %lt3A_192 : i1
    %and3A_194 = arith.andi %ne3A_193, %ne3A_188 : i1
    %add3A_195 = arith.addi %rem3A_186, %select_n3A_185 : i32
    %select_n3A_196 = arith.select %and3A_194, %add3A_195, %rem3A_186 : i32
    %mul3A_197 = arith.constant 2048 : i32
    %mul3A_198 = arith.muli %select_n3A_196, %mul3A_197 : i32
    %dma_wait3A_199 = tpu.memref_slice %arg2[%mul3A_180, %mul3A_198] : memref<4096x4096xf32, #tpu.memory_space<hbm>> -> memref<8x2048xf32, #tpu.memory_space<hbm>>
    %dma_wait3A_200 = tpu.memref_slice %arg2[%mul3A_180, %mul3A_198] : memref<4096x4096xf32, #tpu.memory_space<hbm>> -> memref<8x2048xf32, #tpu.memory_space<hbm>>
    tpu.wait_dma2 semaphore(%arg10 : memref<!tpu.dma_semaphore, #tpu.memory_space<semaphore_mem>>) src(%dma_wait3A_200 : memref<8x2048xf32, #tpu.memory_space<hbm>>) dst(%arg6 : memref<8x2048xf32, #tpu.memory_space<vmem>>)
    "tpu.region"() ({
      %run_scoped3A = tpu.sem_alloc : memref<!tpu.dma_semaphore, #tpu.memory_space<semaphore_mem>>
      %dma_start3A_201 = arith.constant 0 : i32
      %dma_start3A_202 = tpu.memref_slice %arg4[%add3A, %dma_start3A_201] : memref<32x65536xi32, #tpu.memory_space<hbm>> -> memref<1x65536xi32, #tpu.memory_space<hbm>>
      %dma_start3A_203 = tpu.memref_squeeze %dma_start3A_202 : memref<1x65536xi32, #tpu.memory_space<hbm>> -> memref<65536xi32, #tpu.memory_space<hbm>>
      %dma_start3A_204 = arith.constant 0 : i32
      %dma_start3A_205 = tpu.memref_slice %arg4[%add3A, %dma_start3A_204] : memref<32x65536xi32, #tpu.memory_space<hbm>> -> memref<1x65536xi32, #tpu.memory_space<hbm>>
      %dma_start3A_206 = tpu.memref_squeeze %dma_start3A_205 : memref<1x65536xi32, #tpu.memory_space<hbm>> -> memref<65536xi32, #tpu.memory_space<hbm>>
      tpu.enqueue_dma source(%arg7 : memref<65536xi32, #tpu.memory_space<vmem>>) target(%dma_start3A_206 : memref<65536xi32, #tpu.memory_space<hbm>>) target_semaphore(%run_scoped3A : memref<!tpu.dma_semaphore, #tpu.memory_space<semaphore_mem>>)
      %dma_wait3A_207 = arith.constant 0 : i32
      %dma_wait3A_208 = tpu.memref_slice %arg4[%add3A, %dma_wait3A_207] : memref<32x65536xi32, #tpu.memory_space<hbm>> -> memref<1x65536xi32, #tpu.memory_space<hbm>>
      %dma_wait3A_209 = tpu.memref_squeeze %dma_wait3A_208 : memref<1x65536xi32, #tpu.memory_space<hbm>> -> memref<65536xi32, #tpu.memory_space<hbm>>
      %dma_wait3A_210 = arith.constant 0 : i32
      %dma_wait3A_211 = tpu.memref_slice %arg4[%add3A, %dma_wait3A_210] : memref<32x65536xi32, #tpu.memory_space<hbm>> -> memref<1x65536xi32, #tpu.memory_space<hbm>>
      %dma_wait3A_212 = tpu.memref_squeeze %dma_wait3A_211 : memref<1x65536xi32, #tpu.memory_space<hbm>> -> memref<65536xi32, #tpu.memory_space<hbm>>
      tpu.wait_dma2 semaphore(%run_scoped3A : memref<!tpu.dma_semaphore, #tpu.memory_space<semaphore_mem>>) src(%arg7 : memref<65536xi32, #tpu.memory_space<vmem>>) dst(%dma_wait3A_212 : memref<65536xi32, #tpu.memory_space<hbm>>)
      tpu.yield
    }) : () -> ()
    return
  }
}

module attributes {stable_mosaic.version = 14 : i64} {
  func.func @_apply_body(%arg0: i32, %arg1: memref<1x1xf32, #tpu.memory_space<smem>>, %arg2: memref<256x4096xf32, #tpu.memory_space<vmem>>, %arg3: memref<256x4096xf32, #tpu.memory_space<vmem>>, %arg4: memref<256x4096xf32, #tpu.memory_space<vmem>>) attributes {dimension_semantics = [#tpu.dimension_semantics<arbitrary>], iteration_bounds = array<i64: 16>, scalar_prefetch = 0 : i64, scratch_operands = 0 : i64, tpu.core_type = #tpu.core_type<tc>, window_params = [{transform_indices = @transform_0, window_bounds = array<i64: 1, 1>}, {transform_indices = @transform_1, window_bounds = array<i64: 256, 4096>}, {transform_indices = @transform_2, window_bounds = array<i64: 256, 4096>}, {transform_indices = @transform_3, window_bounds = array<i64: 256, 4096>}]} {
    %get3A = arith.constant 0 : index
    %get3A_0 = arith.constant 0 : index
    %get3A_1 = memref.load %arg1[%get3A, %get3A_0] : memref<1x1xf32, #tpu.memory_space<smem>>
    %get3A_2 = arith.constant 0 : index
    %get3A_3 = arith.constant 0 : index
    %get3A_4 = vector.load %arg3[%get3A_2, %get3A_3] : memref<256x4096xf32, #tpu.memory_space<vmem>>, vector<256x4096xf32>
    %lt3A = vector.broadcast %get3A_1 : f32 to vector<256x4096xf32>
    %lt3A_5 = arith.cmpf olt, %get3A_4, %lt3A : vector<256x4096xf32>
    %get3A_6 = arith.constant 0 : index
    %get3A_7 = arith.constant 0 : index
    %get3A_8 = vector.load %arg2[%get3A_6, %get3A_7] : memref<256x4096xf32, #tpu.memory_space<vmem>>, vector<256x4096xf32>
    %jit3A = arith.constant 0.000000e+00 : f32
    %broadcast_in_dim3A = vector.broadcast %jit3A : f32 to vector<256x4096xf32>
    %select_n3A = arith.select %lt3A_5, %broadcast_in_dim3A, %get3A_8 : vector<256x4096xi1>, vector<256x4096xf32>
    %swap3A = arith.constant 0 : index
    %swap3A_9 = arith.constant 0 : index
    %swap3A_10 = vector.load %arg4[%swap3A, %swap3A_9] : memref<256x4096xf32, #tpu.memory_space<vmem>>, vector<256x4096xf32>
    tpu.vector_store %arg4[%swap3A, %swap3A_9], %select_n3A {strides = array<i32>} : memref<256x4096xf32, #tpu.memory_space<vmem>>, vector<256x4096xf32>,
    return
  }
  func.func @transform_0(%arg0: i32) -> (i32, i32) {
    %c0_i32 = arith.constant 0 : i32
    %c0_i32_0 = arith.constant 0 : i32
    %c0_i32_1 = arith.constant 0 : i32
    return %c0_i32, %c0_i32_0 : i32, i32
  }
  func.func @transform_1(%arg0: i32) -> (i32, i32) {
    %c0_i32 = arith.constant 0 : i32
    %c0_i32_0 = arith.constant 0 : i32
    return %arg0, %c0_i32 : i32, i32
  }
  func.func @transform_2(%arg0: i32) -> (i32, i32) {
    %c0_i32 = arith.constant 0 : i32
    %c0_i32_0 = arith.constant 0 : i32
    return %arg0, %c0_i32 : i32, i32
  }
  func.func @transform_3(%arg0: i32) -> (i32, i32) {
    %c0_i32 = arith.constant 0 : i32
    %c0_i32_0 = arith.constant 0 : i32
    return %arg0, %c0_i32 : i32, i32
  }
}

</mosaic_0001>

<sc_bundles>
// kernel: kernel.5.cloned.1.call-start
scs
__scs_entry_jumppad:
0x0: {  	(pc) =	sbr.rel $0x88, $3  }
0x1: {  	(tag) =	ssettag $0x0;
	lr =	simm.s32 $0x1  }
0x2: {  	[smem:$0x3F9F] =	sst lr;
	_ =	strace $0xD0000000  }
0x3: {  	_ = 	snop  }
0x4: {  	_ = 	snop  }
0x5: {  	_ = 	snop  }
0x6: {  	_ = 	snop  }
0x7: {  	_ = 	snop  }
__scs_overlays_trampoline_lowered:
0x8: {  	[smem:$0x3FAE] =	sst s0  }
0x9: {  	[smem:$0x3FAF] =	sst s1  }
0xa: {  	[smem:$0x3FB0] =	sst s2  }
0xb: {  	[smem:$0x3FB1] =	sst s3  }
0xc: {  	[smem:$0x3FB2] =	sst s4  }
0xd: {  	[smem:$0x3FB3] =	sst s5  }
0xe: {  	[smem:$0x3FB4] =	sst s6  }
0xf: {  	[smem:$0x3FB5] =	sst s7  }
0x10: {  	[smem:$0x3FB6] =	sst s8  }
0x11: {  	[smem:$0x3FB7] =	sst s9;
	s0 =	simm.s32 @!p0 $0x0  }
0x12: {  	s1 =	sld [smem:$0x3F9D];
	s0 =	simm.s32 @p0 $0x1  }
0x13: {  	[smem:$0x3FB8] =	sst s0;
	s0 =	simm.s32 @!p1 $0x0  }
0x14: {  	s2 =	sld [smem:$0x3F9C];
	s0 =	simm.s32 @p1 $0x1  }
0x15: {  	[smem:$0x3FB9] =	sst s0;
	s0 =	simm.s32 @!p2 $0x0  }
0x16: {  	s3 =	sld [smem:$0x3FDB];
	s0 =	simm.s32 @p2 $0x1  }
0x17: {  	s4 =	simm.s32 $0x1BF5;
	[smem:$0x3FBB] =	sst s0  }
0x18: {  	s0 =	sld [smem:$0x3F9E];
	_ =	swait.ge [sflag:s4], $0x0  }
0x19: {  	s7 =	sld [smem:$0x3F9F]  }
0x1a: {  	s8 =	sadd.s32 $0xFFFFE003, lr  }
0x1b: {  	s9 =	sadd.s32 $0xFFFFFEF7, lr;
	s5 =	simm.s32 $0xFFFFFFFF;
	p2 =	slt.u32 s8, $0xFFFFF086  }
0x1c: {  	p1 =	slt.u32 s9, $0xF7A;
	s5 =	simm.s32 @!p2 $0x0  }
0x1d: {  	s5 =	simm.s32 @p1 $0x1;
	p0 =	seq.s32 s7, s2  }
0x1e: {  	s7 =	smul.u32 @!p0 $0xF7A, s2;
	p2 =	seq.s32 @!p0 s5, $0x0  }
0x1f: {  	s9 =	smul.u32 $0xF7A, s1;
	s8 =	simm.s32 @!p0 $0x1BF5;
	p2 =	por !p2, p0  }
0x20: {  	[sflag:s8] =	ssyncset.s32 @!p0 $0xFFFFF086;
	s6 =	sadd.s32 @!p0 s3, s7;
	s7 =	simm.s32 @!p0 $0x108  }
0x21: {  	s3 =	sadd.s32 s3, s9;
	s6 =	sadd.s32 @!p0 $0x88, s6;
	s7 =	simm.s32 @p2 $0x1082  }
0x22: {  	[simem:s7], [sflag:s8] =	dma.local @!p0 [hbm:s6], $0xF7A  }
0x23: {  	s9 =	sor.u32 $0xD0000000, s2;
	s6 =	simm.s32 $0x108;
	_ =	swait.ge @!p0 [sflag:s8], $0x0  }
0x24: {  	s3 =	sadd.s32 $0x88, s3;
	s6 =	simm.s32 @!p1 $0x1082;
	[sflag:s4] =	ssyncset.s32 $0xFFFFF086  }
0x25: {  	[simem:s6], [sflag:s4] =	dma.local [hbm:s3], $0xF7A  }
0x26: {  	[smem:$0x3F9F] =	sst s1;
	(tag) =	ssettag s2;
	_ =	strace s9  }
0x27: {  	s1 =	sld [smem:$0x3FAF]  }
0x28: {  	s2 =	sld [smem:$0x3FB0]  }
0x29: {  	s4 =	sld [smem:$0x3FB2]  }
0x2a: {  	p0 =	seq.s32 s5, $0x0;
	s5 =	sld [smem:$0x3FB3]  }
0x2b: {  	s6 =	sld [smem:$0x3FB4]  }
0x2c: {  	s7 =	sld [smem:$0x3FB5]  }
0x2d: {  	s3 =	simm.s32 $0x108;
	s8 =	sld [smem:$0x3FB6]  }
0x2e: {  	s3 =	simm.s32 @!p0 $0x1082;
	s9 =	sld [smem:$0x3FB7]  }
0x2f: {  	lr =	sadd.s32 s0, s3;
	s0 =	sld [smem:$0x3FAE]  }
0x30: {  	s3 =	sld [smem:$0x3FB1]  }
0x31: {  	[smem:$0x3FBA] =	sst s10  }
0x32: {  	s10 =	sld [smem:$0x3FB8];
	_ =	sdelay $0x3  }
0x33: {  	p0 =	seq.s32 s10, $0x1;
	s10 =	sld [smem:$0x3FBA];
	_ =	sdelay $0x3  }
0x34: {  	[smem:$0x3FBA] =	sst s10  }
0x35: {  	s10 =	sld [smem:$0x3FB9];
	_ =	sdelay $0x3  }
0x36: {  	p1 =	seq.s32 s10, $0x1;
	s10 =	sld [smem:$0x3FBA];
	_ =	sdelay $0x3  }
0x37: {  	[smem:$0x3FBA] =	sst s10  }
0x38: {  	s10 =	sld [smem:$0x3FBB]  }
0x39: {  	_ = 	snop;
	(pc) =	sbr.ind lr, $3  }
0x3a: {  	_ = 	snop  }
0x3b: {  	_ = 	snop  }
0x3c: {  	p2 =	seq.s32 s10, $0x1;
	s10 =	sld [smem:$0x3FBA]  }
0x3d: {  	_ =	shalt  }
0x3e: {  	_ =	shalt  }
0x3f: {  	_ =	shalt  }
0x40: {  	_ =	shalt  }
0x41: {  	_ =	shalt  }
0x42: {  	_ =	shalt  }
0x43: {  	_ =	shalt  }
0x44: {  	_ =	shalt  }
0x45: {  	_ =	shalt  }
0x46: {  	_ =	shalt  }
0x47: {  	_ =	shalt  }
0x48: {  	_ =	shalt  }
0x49: {  	_ =	shalt  }
0x4a: {  	_ =	shalt  }
0x4b: {  	_ =	shalt  }
0x4c: {  	_ =	shalt  }
0x4d: {  	_ =	shalt  }
0x4e: {  	_ =	shalt  }
0x4f: {  	_ =	shalt  }
0x50: {  	_ =	shalt  }
0x51: {  	_ =	shalt  }
0x52: {  	_ =	shalt  }
0x53: {  	_ =	shalt  }
0x54: {  	_ =	shalt  }
0x55: {  	_ =	shalt  }
0x56: {  	_ =	shalt  }
0x57: {  	_ =	shalt  }
0x58: {  	_ =	shalt  }
0x59: {  	_ =	shalt  }
0x5a: {  	_ =	shalt  }
0x5b: {  	_ =	shalt  }
0x5c: {  	_ =	shalt  }
0x5d: {  	_ =	shalt  }
0x5e: {  	_ =	shalt  }
0x5f: {  	_ =	shalt  }
0x60: {  	_ =	shalt  }
0x61: {  	_ =	shalt  }
0x62: {  	_ =	shalt  }
0x63: {  	_ =	shalt  }
0x64: {  	_ =	shalt  }
0x65: {  	_ =	shalt  }
0x66: {  	_ =	shalt  }
0x67: {  	_ =	shalt  }
0x68: {  	_ =	shalt  }
0x69: {  	_ =	shalt  }
0x6a: {  	_ =	shalt  }
0x6b: {  	_ =	shalt  }
0x6c: {  	_ =	shalt  }
0x6d: {  	_ =	shalt  }
0x6e: {  	_ =	shalt  }
0x6f: {  	_ =	shalt  }
0x70: {  	_ =	shalt  }
0x71: {  	_ =	shalt  }
0x72: {  	_ =	shalt  }
0x73: {  	_ =	shalt  }
0x74: {  	_ =	shalt  }
0x75: {  	_ =	shalt  }
0x76: {  	_ =	shalt  }
0x77: {  	_ =	shalt  }
0x78: {  	_ =	shalt  }
0x79: {  	_ =	shalt  }
0x7a: {  	_ =	shalt  }
0x7b: {  	_ =	shalt  }
0x7c: {  	_ =	shalt  }
0x7d: {  	_ =	shalt  }
0x7e: {  	_ =	shalt  }
0x7f: {  	_ =	shalt  }
0x80: {  	_ =	shalt  }
0x81: {  	_ =	shalt  }
0x82: {  	_ =	shalt  }
0x83: {  	_ =	shalt  }
0x84: {  	_ =	shalt  }
0x85: {  	_ =	shalt  }
0x86: {  	_ =	shalt  }
0x87: {  	_ =	shalt  }
.Lfunc_end0:
.L_simem_size_0:
called_computation_lowered:
.L_overlay_start_0:
0x88: {  	s2 =	sld [smem:$0x3FD9]  }
0x89: {  	s3 =	sld [smem:$0x3FFE];
	_ =	sdelay $0x1  }
0x8a: {  	s1 =	srdreg.scid  }
0x8b: {  	s0 =	sand.u32 $0x1, s1  }
0x8c: {  	s17 =	sshll.u32 s0, $0xA;
	s2 =	sadd.s32 s3, s2  }
0x8d: {  	s2 =	sadd.s32 s2, s17  }
0x8e: {  	[smem:$0x3FC6] =	sst s2  }
0x8f: {  	_ = 	snop  }
0x90: {  	s2 =	sld [smem:$0x3FC8]  }
0x91: {  	s18 =	sld [smem:$0x3FD0];
	(tm) =	ssettm $0x1  }
0x92: {  	s4 =	sld [smem:$0x3FFB];
	_ =	sdelay $0x3  }
0x93: {  	_ =	strace s4  }
0x94: {  	s4 =	sld [smem:$0x3FFC];
	_ =	sdelay $0x3  }
0x95: {  	_ =	strace s4  }
0x96: {  	s4 =	sld [smem:$0x3FFD];
	_ =	sdelay $0x3  }
0x97: {  	_ =	strace s4  }
0x98: {  	_ =	strace $0x8FFFFFFF  }
0x99: {  	s19 =	sld [smem:$0x3FDB];
	_ =	sdelay $0x1  }
0x9a: {  	s5 =	simm.s32 $_scs_section_size  }
0x9b: {  	s6 =	simm.s32 $_size__tile_overlayer_lowered;
	s7 =	simm.s32 $_tile_overlayer_lowered  }
0x9c: {  	s22 =	simm.s32 $0x1BFF;
	s21 =	sshll.u32 s7, $0x1;
	s4 =	sadd.s32 s5, s19  }
0x9d: {  	s8 =	simm.s32 $0x0;
	s20 =	sshll.u32 s6, $0x1;
	s6 =	sadd.s32 s21, s4  }
0x9e: {  	[timem:s8], [sflag:s22] =	dma.local [hbm:s6], s20  }
0x9f: {  	_ =	swait.ge [sflag:s22], s20  }
0xa0: {  	s5 =	ssub.s32 $0x0, s20;
	[sflag:s22] =	ssyncset.done $0x0  }
0xa1: {  	[sflag:s22] =	ssyncadd.s32 s5;
	_ =	sdelay $0x1  }
0xa2: {  	s23 =	simm.s32 $0x1B8B  }
0xa3: {  	_ =	swait.ge [sflag:s23], $0x1  }
0xa4: {  	[sflag:s23] =	ssyncset.done $0x0  }
0xa5: {  	s25 =	simm.s32 $0x1B8E;
	s24 =	sld [smem:$0x3FFE];
	[sflag:s23] =	ssyncadd.s32 $0xFFFFFFFF  }
0xa6: {  	s26 =	simm.s32 $execute0_lowered;
	[smem:$0x3FD2] =	sst s25  }
0xa7: {  	s6 =	sshll.u32 s26, $0x1;
	_ =	strace $0x80000046;
	[dreg:$0x1] =	wrdreg $0xFFFFFFFF  }
0xa8: {  	s28 =	simm.s32 $_size_execute0_lowered;
	s4 =	sadd.s32 s4, s6;
	[dreg:$0x0] =	wrdreg $0x0  }
0xa9: {  	s6 =	sshll.u32 s28, $0x1;
	[dreg:$0x2] =	wrdreg s4  }
0xaa: {  	[dreg:$0x3] =	wrdreg s6  }
0xab: {  	[dreg:$0x4] =	wrdreg $0xC0  }
0xac: {  	_ =	task [dreg:s8], $0x5FFFF  }
0xad: {  	[dreg:$0x1] =	wrdreg $0xFFFFFFFF  }
0xae: {  	[dreg:$0x0] =	wrdreg $0x60  }
0xaf: {  	[dreg:$0x2] =	wrdreg s2  }
0xb0: {  	[dreg:$0x3] =	wrdreg s24  }
0xb1: {  	[dreg:$0x4] =	wrdreg s18  }
0xb2: {  	[dreg:$0x5] =	wrdreg $0x9  }
0xb3: {  	_ =	task.clear_ibuf [dreg:s8], $0x6FFFF;
	_ =	strace $0x90000046  }
0xb4: {  	s29 =	simm.s32 $0x9;
	_ =	strace $0x80000048  }
0xb5: {  	_ =	swait.ge [sflag:s29], $0x1  }
0xb6: {  	[sflag:s29] =	ssyncadd.s32 $0xFFFFFFFF  }
0xb7: {  	_ =	strace $0x90000048  }
0xb8: {  	_ =	sfence  }
0xb9: {  	s30 =	sld [smem:$0x0];
	_ =	sdelay $0x2  }
0xba: {  	s31 =	sshll.u32 s1, $0xD;
	s1 =	sshrl.u32 s1, $0x2  }
0xbb: {  	s3 =	sand.u32 $0x4000, s31;
	s1 =	sadd.s32 s1, s30  }
0xbc: {  	s0 =	sor.u32 s3, s0;
	s1 =	sshll.u32 s1, $0x11  }
0xbd: {  	s0 =	sor.u32 s1, s0  }
0xbe: {  	s0 =	sadd.s32 $0x8F2B, s0  }
0xbf: {  	[sflag:s0] =	ssyncadd.remote.s32 $0x1  }
0xc0: {  	_ =	sfence.sel $0xFFFF  }
0xc1: {  	[dreg:$0x0] =	wrdreg $0xFFFFFFFF;
	(pc) =	sbr.abs _section_cstart, $3  }
0xc2: {  	[dreg:$0x1] =	wrdreg $0xFFFFFFFF  }
0xc3: {  	_ =	task.clear_ibuf [dreg:s8], $0x2FFFF;
	_ =	strace $0x9FFFFFFF  }
0xc4: {  	(tm) =	ssettm $0x7FFFFFFF  }
0xc5: {  	_ =	shalt  }
tec
execute0_lowered:
.L_overlay_start_1:
0x0: {  	(tag) =	ssettag $0x1  }
0x1: {  	s1 =	rddreg [dreg:$0x0]  }
0x2: {  	s3 =	rddreg [dreg:$0x1]  }
0x3: {  	s9 =	rddreg [dreg:$0x2]  }
0x4: {  	s0 =	rddreg [dreg:$0x3]  }
0x5: {  	s5 =	srdreg.scid;
	s2 =	stileid.u32  }
0x6: {  	s4 =	simm.s32 $0x0;
	s13 =	simm.s32 $0x3;
	s14 =	simm.s32 $0x1  }
0x7: {  	s15 =	simm.s32 $0x8000;
	s16 =	simm.s32 $0x2;
	s17 =	simm.s32 $0x80  }
0x8: {  	s18 =	simm.s32 $0x400;
	s19 =	simm.s32 $0x0;
	s5 =	sand.u32 $0x1, s5  }
0x9: {  	s6 =	sshll.u32 s2, $0x1;
	[smem:$0x7FF] =	sst s4;
	s7 =	ssub.s32 $0x2, s5  }
0xa: {  	s5 =	sor.u32 s5, s6;
	_ =	strace $0x80000047;
	s28 =	sshrl.u32 s7, $0x1  }
0xb: {  	s8 =	sshll.u32 s5, $0x10;
	s10 =	sshll.u32 s5, $0x7;
	s30 =	sshll.u32 s5, $0x5  }
0xc: {  	s11 =	ssub.s32 s7, s28;
	s29 =	sor.u32 s10, s8;
	s5 =	sadd.s32 s1, s8  }
0xd: {  	s7 =	sor.u32 $0x2, s30;
	s8 =	sor.u32 $0x3, s30;
	s31 =	sand.u32 $0x180380, s29  }
0xe: {  	s6 =	sadd.s32 $0x800, s5;
	s10 =	smax.u32 s11, $0x1;
	s12 =	sshrl.u32 s31, $0x3  }
0xf: {  	v0 =	vimm.s32 $0x0;
	v1 =	vimm.s32 $0x1;
	s11 =	simm.s32 $0x4000;
	s9 =	sadd.s32 s9, s12;
	s12 =	simm.s32 $0x18000  }
.LBB2_1:
0x10: {  	[tilespmem:s4], [sflag:$0x1] =	stream.linear.gather [hbm4b:s5+s4], $0x4000, $0x38;
	[tilespmem:$0x18080] =	vst v63  }
0x11: {  	s20 =	simm.s32 $0x8040  }
0x12: {  	[tilespmem:s11], [sflag:$0x2] =	stream.linear.gather [hbm4b:s6+s4], $0x4000, $0x38;
	[tilespmem:$0x18080] =	vst v63  }
0x13: {  	[tilespmem:s20+$0xFFFFFFC0] =	vst v0  }
0x14: {  	[tilespmem:s20+$0x30] =	vst v0  }
0x15: {  	[tilespmem:s20+$0x20] =	vst v0  }
0x16: {  	[tilespmem:s20+$0x10] =	vst v0  }
0x17: {  	[tilespmem:s20+$0x0] =	vst v0  }
0x18: {  	[tilespmem:s20+$0xFFFFFFF0] =	vst v0  }
0x19: {  	s21 =	simm.s32 $0x0;
	[tilespmem:s20+$0xFFFFFFE0] =	vst v0  }
.LBB2_2:
0x1a: {  	s21 =	sadd.s32 $0x8, s21;
	[tilespmem:s20+$0xFFFFFFD0] =	vst v0;
	s20 =	sadd.s32 $0x80, s20  }
0x1b: {  	[tilespmem:s20+$0xFFFFFFC0] =	vst v0;
	p0 =	slt.u32 s21, $0xFF8  }
0x1c: {  	[tilespmem:s20+$0x30] =	vst v0  }
.Ltmp0:
0x1d: {  	[tilespmem:s20+$0x20] =	vst v0;
	(pc) =	sbr.rel @p0 .LBB2_2-.Ltmp0, $4  }
0x1e: {  	[tilespmem:s20+$0x10] =	vst v0  }
0x1f: {  	[tilespmem:s20+$0x0] =	vst v0  }
0x20: {  	[tilespmem:s20+$0xFFFFFFF0] =	vst v0  }
0x21: {  	[tilespmem:s20+$0xFFFFFFE0] =	vst v0  }
0x22: {  	[tilespmem:s20+$0xFFFFFFD0] =	vst v0;
	s20 =	simm.s32 $0x0  }
0x23: {  	[tilespmem:s12], [sflag:$0x3] =	stream.linear.gather [hbm4b:s3+s20], $0x80, $0x38;
	[tilespmem:$0x18080] =	vst v63  }
0x24: {  	_ =	swait.ge [sflag:s13], $0x80  }
0x25: {  	[sflag:s13] =	ssyncset.done $0x0  }
0x26: {  	[sflag:s13] =	ssyncadd.s32 $0xFFFFFF80  }
0x27: {  	v2 =	vld [tilespmem:$0x18000];
	_ =	sdelay $0x4  }
0x28: {  	vm0 =	veq.s32 v2, $0x0;
	_ =	sdelay $0x4  }
0x29: {  	s21 =	simm.s32 $0x0  }
.LBB2_4:
0x2a: {  	_ =	swait.ge [sflag:s14], $0x4000;
	s22 =	simm.s32 $0x0  }
0x2b: {  	s24 =	sand.u32 $0x3800, s20;
	[sflag:s14] =	ssyncset.done $0x0;
	s23 =	sand.u32 $0x380, s22  }
0x2c: {  	[sflag:s14] =	ssyncadd.s32 $0xFFFFC000;
	s23 =	sor.u32 s23, s24  }
0x2d: {  	v2 =	vld [tilespmem:s23+$0x470]  }
0x2e: {  	v3 =	vld [tilespmem:s23+$0x0]  }
0x2f: {  	v4 =	vld [tilespmem:s23+$0x10]  }
0x30: {  	v5 =	vld [tilespmem:s23+$0x20]  }
0x31: {  	v6 =	vld [tilespmem:s23+$0x30]  }
0x32: {  	v7 =	vld [tilespmem:s23+$0x40]  }
0x33: {  	v8 =	vld [tilespmem:s23+$0x50]  }
0x34: {  	v9 =	vld [tilespmem:s23+$0x60]  }
0x35: {  	v10 =	vld [tilespmem:s23+$0x70]  }
0x36: {  	v11 =	vld [tilespmem:s23+$0x400]  }
0x37: {  	v12 =	vld [tilespmem:s23+$0x420];
	v2 =	vshrl.u32 v2, $0x10  }
0x38: {  	v13 =	vld [tilespmem:s23+$0x430]  }
0x39: {  	v14 =	vld [tilespmem:s23+$0x440];
	v3 =	vshrl.u32 v3, $0x10  }
0x3a: {  	v15 =	vld [tilespmem:s23+$0x450];
	v4 =	vshrl.u32 v4, $0x10  }
0x3b: {  	v16 =	vld [tilespmem:s23+$0x460];
	v5 =	vshrl.u32 v5, $0x10  }
0x3c: {  	v6 =	vshrl.u32 v6, $0x10;
	[tilespmem:v2+s15+$0x0] =	vst.idx.add.s32.msk vm0, v1  }
0x3d: {  	v7 =	vshrl.u32 v7, $0x10;
	v2 =	vld [tilespmem:s23+$0x410]  }
0x3e: {  	v8 =	vshrl.u32 v8, $0x10;
	[tilespmem:v3+s15+$0x0] =	vst.idx.add.s32.msk vm0, v1  }
0x3f: {  	v3 =	vshrl.u32 v9, $0x10;
	[tilespmem:v4+s15+$0x0] =	vst.idx.add.s32.msk vm0, v1  }
0x40: {  	v4 =	vshrl.u32 v10, $0x10;
	[tilespmem:v5+s15+$0x0] =	vst.idx.add.s32.msk vm0, v1  }
0x41: {  	v5 =	vshrl.u32 v11, $0x10;
	[tilespmem:v6+s15+$0x0] =	vst.idx.add.s32.msk vm0, v1  }
0x42: {  	[tilespmem:v7+s15+$0x0] =	vst.idx.add.s32.msk vm0, v1;
	v2 =	vshrl.u32 v2, $0x10  }
0x43: {  	v6 =	vshrl.u32 v12, $0x10;
	[tilespmem:v8+s15+$0x0] =	vst.idx.add.s32.msk vm0, v1  }
0x44: {  	v7 =	vshrl.u32 v13, $0x10;
	[tilespmem:v3+s15+$0x0] =	vst.idx.add.s32.msk vm0, v1  }
0x45: {  	[tilespmem:v4+s15+$0x0] =	vst.idx.add.s32.msk vm0, v1;
	v4 =	vshrl.u32 v14, $0x10  }
0x46: {  	[tilespmem:v5+s15+$0x0] =	vst.idx.add.s32.msk vm0, v1;
	v3 =	vshrl.u32 v15, $0x10  }
0x47: {  	[tilespmem:v2+s15+$0x0] =	vst.idx.add.s32.msk vm0, v1;
	v2 =	vshrl.u32 v16, $0x10  }
0x48: {  	[tilespmem:v6+s15+$0x0] =	vst.idx.add.s32.msk vm0, v1  }
0x49: {  	s23 =	simm.s32 $0x0;
	[tilespmem:v7+s15+$0x0] =	vst.idx.add.s32.msk vm0, v1  }
.LBB2_5:
0x4a: {  	s22 =	sadd.s32 $0x10, s22;
	[tilespmem:v4+s15+$0x0] =	vst.idx.add.s32.msk vm0, v1;
	s23 =	sadd.s32 $0x800, s23  }
0x4b: {  	s24 =	sand.u32 $0x380, s22;
	s25 =	sand.u32 $0x3800, s23;
	p0 =	slt.u32 s22, $0x3F0;
	[tilespmem:v3+s15+$0x0] =	vst.idx.add.s32.msk vm0, v1  }
0x4c: {  	s24 =	sor.u32 s24, s25;
	[tilespmem:v2+s15+$0x0] =	vst.idx.add.s32.msk vm0, v1  }
0x4d: {  	v2 =	vld [tilespmem:s24+$0x470]  }
0x4e: {  	v3 =	vld [tilespmem:s24+$0x0]  }
0x4f: {  	v4 =	vld [tilespmem:s24+$0x10]  }
0x50: {  	v5 =	vld [tilespmem:s24+$0x20]  }
0x51: {  	v6 =	vld [tilespmem:s24+$0x30]  }
0x52: {  	v7 =	vld [tilespmem:s24+$0x40];
	v2 =	vshrl.u32 v2, $0x10  }
0x53: {  	v3 =	vshrl.u32 v3, $0x10;
	v8 =	vld [tilespmem:s24+$0x50]  }
0x54: {  	v4 =	vshrl.u32 v4, $0x10;
	v9 =	vld [tilespmem:s24+$0x60]  }
0x55: {  	v5 =	vshrl.u32 v5, $0x10;
	v10 =	vld [tilespmem:s24+$0x70]  }
0x56: {  	v6 =	vshrl.u32 v6, $0x10;
	v11 =	vld [tilespmem:s24+$0x400]  }
0x57: {  	v7 =	vshrl.u32 v7, $0x10;
	[tilespmem:v2+s15+$0x0] =	vst.idx.add.s32.msk vm0, v1  }
0x58: {  	v8 =	vshrl.u32 v8, $0x10;
	v2 =	vld [tilespmem:s24+$0x410]  }
0x59: {  	v9 =	vshrl.u32 v9, $0x10;
	v12 =	vld [tilespmem:s24+$0x420]  }
0x5a: {  	v10 =	vshrl.u32 v10, $0x10;
	v13 =	vld [tilespmem:s24+$0x430]  }
0x5b: {  	v11 =	vshrl.u32 v11, $0x10;
	v14 =	vld [tilespmem:s24+$0x440]  }
0x5c: {  	v15 =	vld [tilespmem:s24+$0x450]  }
0x5d: {  	v16 =	vshrl.u32 v2, $0x10;
	v2 =	vld [tilespmem:s24+$0x460]  }
0x5e: {  	[tilespmem:v3+s15+$0x0] =	vst.idx.add.s32.msk vm0, v1;
	v12 =	vshrl.u32 v12, $0x10  }
0x5f: {  	[tilespmem:v4+s15+$0x0] =	vst.idx.add.s32.msk vm0, v1;
	v13 =	vshrl.u32 v13, $0x10  }
0x60: {  	[tilespmem:v5+s15+$0x0] =	vst.idx.add.s32.msk vm0, v1;
	v4 =	vshrl.u32 v14, $0x10  }
0x61: {  	[tilespmem:v6+s15+$0x0] =	vst.idx.add.s32.msk vm0, v1;
	v3 =	vshrl.u32 v15, $0x10  }
0x62: {  	[tilespmem:v7+s15+$0x0] =	vst.idx.add.s32.msk vm0, v1;
	v2 =	vshrl.u32 v2, $0x10  }
0x63: {  	[tilespmem:v8+s15+$0x0] =	vst.idx.add.s32.msk vm0, v1  }
0x64: {  	[tilespmem:v9+s15+$0x0] =	vst.idx.add.s32.msk vm0, v1  }
.Ltmp1:
0x65: {  	[tilespmem:v10+s15+$0x0] =	vst.idx.add.s32.msk vm0, v1;
	(pc) =	sbr.rel @p0 .LBB2_5-.Ltmp1, $4  }
0x66: {  	[tilespmem:v11+s15+$0x0] =	vst.idx.add.s32.msk vm0, v1  }
0x67: {  	[tilespmem:v16+s15+$0x0] =	vst.idx.add.s32.msk vm0, v1  }
0x68: {  	[tilespmem:v12+s15+$0x0] =	vst.idx.add.s32.msk vm0, v1  }
0x69: {  	[tilespmem:v13+s15+$0x0] =	vst.idx.add.s32.msk vm0, v1  }
0x6a: {  	_ =	sdelay $0x1  }
0x6b: {  	s22 =	sshll.u32 s21, $0x1  }
0x6c: {  	s23 =	smin.u32 s22, $0x1D  }
0x6d: {  	s24 =	sadd.s32 s23, s7;
	s23 =	sshll.u32 s23, $0xB  }
0x6e: {  	[tilespmem:v4+s15+$0x0] =	vst.idx.add.s32.msk vm0, v1;
	s24 =	sshll.u32 s24, $0xB;
	s23 =	sand.u32 $0x800, s23  }
0x6f: {  	[tilespmem:v3+s15+$0x0] =	vst.idx.add.s32.msk vm0, v1;
	s24 =	sand.u32 $0x3FF000, s24;
	s23 =	sadd.s32 s1, s23  }
0x70: {  	[tilespmem:v2+s15+$0x0] =	vst.idx.add.s32.msk vm0, v1;
	s24 =	sadd.s32 s24, s23;
	s23 =	simm.s32 $0x0  }
0x71: {  	[tilespmem:s23], [sflag:$0x1] =	stream.linear.gather [hbm4b:s24+s23], $0x4000, $0x38;
	[tilespmem:$0x18080] =	vst v63  }
0x72: {  	s24 =	simm.s32 $0x0;
	_ =	swait.ge [sflag:s16], $0x4000  }
0x73: {  	s26 =	sand.u32 $0x3800, s23;
	s25 =	sand.u32 $0x380, s24;
	[sflag:s16] =	ssyncset.done $0x0  }
0x74: {  	s25 =	sor.u32 s25, s26;
	[sflag:s16] =	ssyncadd.s32 $0xFFFFC000  }
0x75: {  	v2 =	vld [tilespmem:s25+$0x4470]  }
0x76: {  	v3 =	vld [tilespmem:s25+$0x4000]  }
0x77: {  	v4 =	vld [tilespmem:s25+$0x4010]  }
0x78: {  	v5 =	vld [tilespmem:s25+$0x4020]  }
0x79: {  	v6 =	vld [tilespmem:s25+$0x4030]  }
0x7a: {  	v7 =	vld [tilespmem:s25+$0x4040]  }
0x7b: {  	v8 =	vld [tilespmem:s25+$0x4050]  }
0x7c: {  	v9 =	vld [tilespmem:s25+$0x4060]  }
0x7d: {  	v10 =	vld [tilespmem:s25+$0x4070]  }
0x7e: {  	v11 =	vld [tilespmem:s25+$0x4400]  }
0x7f: {  	v12 =	vld [tilespmem:s25+$0x4420];
	v2 =	vshrl.u32 v2, $0x10  }
0x80: {  	v13 =	vld [tilespmem:s25+$0x4430]  }
0x81: {  	v14 =	vld [tilespmem:s25+$0x4440];
	v3 =	vshrl.u32 v3, $0x10  }
0x82: {  	v15 =	vld [tilespmem:s25+$0x4450];
	v4 =	vshrl.u32 v4, $0x10  }
0x83: {  	v16 =	vld [tilespmem:s25+$0x4460];
	v5 =	vshrl.u32 v5, $0x10  }
0x84: {  	v6 =	vshrl.u32 v6, $0x10;
	[tilespmem:v2+s15+$0x0] =	vst.idx.add.s32.msk vm0, v1  }
0x85: {  	v7 =	vshrl.u32 v7, $0x10;
	v2 =	vld [tilespmem:s25+$0x4410]  }
0x86: {  	v8 =	vshrl.u32 v8, $0x10;
	[tilespmem:v3+s15+$0x0] =	vst.idx.add.s32.msk vm0, v1  }
0x87: {  	v3 =	vshrl.u32 v9, $0x10;
	[tilespmem:v4+s15+$0x0] =	vst.idx.add.s32.msk vm0, v1  }
0x88: {  	v4 =	vshrl.u32 v10, $0x10;
	[tilespmem:v5+s15+$0x0] =	vst.idx.add.s32.msk vm0, v1  }
0x89: {  	v5 =	vshrl.u32 v11, $0x10;
	[tilespmem:v6+s15+$0x0] =	vst.idx.add.s32.msk vm0, v1  }
0x8a: {  	[tilespmem:v7+s15+$0x0] =	vst.idx.add.s32.msk vm0, v1;
	v2 =	vshrl.u32 v2, $0x10  }
0x8b: {  	v6 =	vshrl.u32 v12, $0x10;
	[tilespmem:v8+s15+$0x0] =	vst.idx.add.s32.msk vm0, v1  }
0x8c: {  	v7 =	vshrl.u32 v13, $0x10;
	[tilespmem:v3+s15+$0x0] =	vst.idx.add.s32.msk vm0, v1  }
0x8d: {  	[tilespmem:v4+s15+$0x0] =	vst.idx.add.s32.msk vm0, v1;
	v4 =	vshrl.u32 v14, $0x10  }
0x8e: {  	[tilespmem:v5+s15+$0x0] =	vst.idx.add.s32.msk vm0, v1;
	v3 =	vshrl.u32 v15, $0x10  }
0x8f: {  	[tilespmem:v2+s15+$0x0] =	vst.idx.add.s32.msk vm0, v1;
	v2 =	vshrl.u32 v16, $0x10  }
0x90: {  	[tilespmem:v6+s15+$0x0] =	vst.idx.add.s32.msk vm0, v1  }
0x91: {  	[tilespmem:v7+s15+$0x0] =	vst.idx.add.s32.msk vm0, v1  }
.LBB2_7:
0x92: {  	s24 =	sadd.s32 $0x10, s24;
	[tilespmem:v4+s15+$0x0] =	vst.idx.add.s32.msk vm0, v1;
	s23 =	sadd.s32 $0x800, s23  }
0x93: {  	s25 =	sand.u32 $0x380, s24;
	s26 =	sand.u32 $0x3800, s23;
	p0 =	slt.u32 s24, $0x3F0;
	[tilespmem:v3+s15+$0x0] =	vst.idx.add.s32.msk vm0, v1  }
0x94: {  	s25 =	sor.u32 s25, s26;
	[tilespmem:v2+s15+$0x0] =	vst.idx.add.s32.msk vm0, v1  }
0x95: {  	v2 =	vld [tilespmem:s25+$0x4470]  }
0x96: {  	v3 =	vld [tilespmem:s25+$0x4000]  }
0x97: {  	v4 =	vld [tilespmem:s25+$0x4010]  }
0x98: {  	v5 =	vld [tilespmem:s25+$0x4020]  }
0x99: {  	v6 =	vld [tilespmem:s25+$0x4030]  }
0x9a: {  	v7 =	vld [tilespmem:s25+$0x4040];
	v2 =	vshrl.u32 v2, $0x10  }
0x9b: {  	v3 =	vshrl.u32 v3, $0x10;
	v8 =	vld [tilespmem:s25+$0x4050]  }
0x9c: {  	v4 =	vshrl.u32 v4, $0x10;
	v9 =	vld [tilespmem:s25+$0x4060]  }
0x9d: {  	v5 =	vshrl.u32 v5, $0x10;
	v10 =	vld [tilespmem:s25+$0x4070]  }
0x9e: {  	v6 =	vshrl.u32 v6, $0x10;
	v11 =	vld [tilespmem:s25+$0x4400]  }
0x9f: {  	v7 =	vshrl.u32 v7, $0x10;
	[tilespmem:v2+s15+$0x0] =	vst.idx.add.s32.msk vm0, v1  }
0xa0: {  	v8 =	vshrl.u32 v8, $0x10;
	v2 =	vld [tilespmem:s25+$0x4410]  }
0xa1: {  	v9 =	vshrl.u32 v9, $0x10;
	v12 =	vld [tilespmem:s25+$0x4420]  }
0xa2: {  	v10 =	vshrl.u32 v10, $0x10;
	v13 =	vld [tilespmem:s25+$0x4430]  }
0xa3: {  	v11 =	vshrl.u32 v11, $0x10;
	v14 =	vld [tilespmem:s25+$0x4440]  }
0xa4: {  	v15 =	vld [tilespmem:s25+$0x4450]  }
0xa5: {  	v16 =	vshrl.u32 v2, $0x10;
	v2 =	vld [tilespmem:s25+$0x4460]  }
0xa6: {  	[tilespmem:v3+s15+$0x0] =	vst.idx.add.s32.msk vm0, v1;
	v12 =	vshrl.u32 v12, $0x10  }
0xa7: {  	[tilespmem:v4+s15+$0x0] =	vst.idx.add.s32.msk vm0, v1;
	v13 =	vshrl.u32 v13, $0x10  }
0xa8: {  	[tilespmem:v5+s15+$0x0] =	vst.idx.add.s32.msk vm0, v1;
	v4 =	vshrl.u32 v14, $0x10  }
0xa9: {  	[tilespmem:v6+s15+$0x0] =	vst.idx.add.s32.msk vm0, v1;
	v3 =	vshrl.u32 v15, $0x10  }
0xaa: {  	[tilespmem:v7+s15+$0x0] =	vst.idx.add.s32.msk vm0, v1;
	v2 =	vshrl.u32 v2, $0x10  }
0xab: {  	[tilespmem:v8+s15+$0x0] =	vst.idx.add.s32.msk vm0, v1  }
0xac: {  	[tilespmem:v9+s15+$0x0] =	vst.idx.add.s32.msk vm0, v1  }
.Ltmp2:
0xad: {  	[tilespmem:v10+s15+$0x0] =	vst.idx.add.s32.msk vm0, v1;
	(pc) =	sbr.rel @p0 .LBB2_7-.Ltmp2, $4  }
0xae: {  	[tilespmem:v11+s15+$0x0] =	vst.idx.add.s32.msk vm0, v1  }
0xaf: {  	[tilespmem:v16+s15+$0x0] =	vst.idx.add.s32.msk vm0, v1  }
0xb0: {  	[tilespmem:v12+s15+$0x0] =	vst.idx.add.s32.msk vm0, v1  }
0xb1: {  	[tilespmem:v13+s15+$0x0] =	vst.idx.add.s32.msk vm0, v1  }
0xb2: {  	_ =	sdelay $0x1  }
0xb3: {  	s21 =	sadd.s32 $0x1, s21  }
0xb4: {  	p0 =	sne.s32 s21, $0x10  }
.Ltmp3:
0xb5: {  	s22 =	smin.u32 s22, $0x1C;
	(pc) =	sbr.rel @p0 .LBB2_4-.Ltmp3, $4  }
0xb6: {  	[tilespmem:v4+s15+$0x0] =	vst.idx.add.s32.msk vm0, v1;
	s22 =	sadd.s32 s22, s8  }
0xb7: {  	[tilespmem:v3+s15+$0x0] =	vst.idx.add.s32.msk vm0, v1;
	s22 =	sshll.u32 s22, $0xB  }
0xb8: {  	[tilespmem:v2+s15+$0x0] =	vst.idx.add.s32.msk vm0, v1;
	s22 =	sadd.s32 s1, s22  }
0xb9: {  	[tilespmem:s11], [sflag:$0x2] =	stream.linear.gather [hbm4b:s22+s4], $0x4000, $0x38;
	[tilespmem:$0x18080] =	vst v63  }
0xba: {  	_ =	swait.ge [sflag:s14], $0x4000  }
0xbb: {  	[sflag:s14] =	ssyncset.done $0x0  }
0xbc: {  	[sflag:s14] =	ssyncadd.s32 $0xFFFFC000  }
0xbd: {  	s19 =	sadd.s32 $0x1, s19;
	_ =	swait.ge [sflag:s16], $0x4000  }
0xbe: {  	p0 =	sne.s32 s19, s10;
	[sflag:s16] =	ssyncset.done $0x0  }
.Ltmp4:
0xbf: {  	[sflag:s16] =	ssyncadd.s32 $0xFFFFC000;
	(pc) =	sbr.rel @p0 .LBB2_1-.Ltmp4, $4  }
0xc0: {  	[hbm4b:s9+s17] =	stream.strided.scatter [tilespmem:s15], [sflag:$0x3], $0x10000, s18, s17, $0x38;
	[tilespmem:$0x18080] =	vst v63  }
0xc1: {  	_ =	swait.ge [sflag:s13], $0x10000  }
0xc2: {  	[sflag:s13] =	ssyncset.done $0x0  }
0xc3: {  	[sflag:s13] =	ssyncadd.s32 $0xFFFF0000  }
0xc4: {  	_ =	sfence.sel $0x180000  }
0xc5: {  	[bflag:$0x0] =	sbarrier.arrive $0xFFFF  }
0xc6: {  	p0 =	sne.s32 s2, $0x0;
	_ =	strace $0x90000047  }
0xc7: {  	s0 =	sadd.s32 @!p0 $0x100000, s0;
	[bflag:$0x2] =	sbarrier.arrive $0xFFFF  }
0xc8: {  	[sflag:s0] =	ssyncadd.tile.s32 @!p0 $0x1;
	_ =	shalt  }
.Lfunc_end2:
_tile_overlayer_lowered:
.L_overlay_start_2:
0xc9: {  	(tag) =	ssettag $0x2  }
0xca: {  	s0 =	rddreg [dreg:$0x0];
	s2 =	stileid.u32  }
0xcb: {  	s1 =	rddreg [dreg:$0x1];
	p0 =	sne.s32 s2, $0x0  }
0xcc: {  	s3 =	rddreg [dreg:$0x2];
	[bflag:$0x3] =	sbarrier.arrive $0xFFFF;
	s2 =	simm.s32 @!p0 $0x1C03  }
0xcd: {  	[timem:s3], [sflag:s2] =	dma.local @!p0 [hbm:s0], s1  }
0xce: {  	s0 =	simm.s32 @!p0 $0x3  }
0xcf: {  	_ =	swait.ge @!p0 [sflag:s0], s1  }
0xd0: {  	s1 =	ssub.s32 @!p0 $0x0, s1;
	[sflag:s0] =	ssyncset.done @!p0 $0x0  }
0xd1: {  	[sflag:s0] =	ssyncadd.s32 @!p0 s1  }
0xd2: {  	[bflag:$0x3] =	sbarrier.arrive $0xFFFF  }
0xd3: {  	_ =	shalt  }

// kernel: kernel.8.cloned.1.call-start
scs
__scs_entry_jumppad:
0x0: {  	(pc) =	sbr.rel $0x88, $3  }
0x1: {  	(tag) =	ssettag $0x0;
	lr =	simm.s32 $0x1  }
0x2: {  	[smem:$0x3F9F] =	sst lr;
	_ =	strace $0xD0000000  }
0x3: {  	_ = 	snop  }
0x4: {  	_ = 	snop  }
0x5: {  	_ = 	snop  }
0x6: {  	_ = 	snop  }
0x7: {  	_ = 	snop  }
__scs_overlays_trampoline_lowered:
0x8: {  	[smem:$0x3FAE] =	sst s0  }
0x9: {  	[smem:$0x3FAF] =	sst s1  }
0xa: {  	[smem:$0x3FB0] =	sst s2  }
0xb: {  	[smem:$0x3FB1] =	sst s3  }
0xc: {  	[smem:$0x3FB2] =	sst s4  }
0xd: {  	[smem:$0x3FB3] =	sst s5  }
0xe: {  	[smem:$0x3FB4] =	sst s6  }
0xf: {  	[smem:$0x3FB5] =	sst s7  }
0x10: {  	[smem:$0x3FB6] =	sst s8  }
0x11: {  	[smem:$0x3FB7] =	sst s9;
	s0 =	simm.s32 @!p0 $0x0  }
0x12: {  	s1 =	sld [smem:$0x3F9D];
	s0 =	simm.s32 @p0 $0x1  }
0x13: {  	[smem:$0x3FB8] =	sst s0;
	s0 =	simm.s32 @!p1 $0x0  }
0x14: {  	s2 =	sld [smem:$0x3F9C];
	s0 =	simm.s32 @p1 $0x1  }
0x15: {  	[smem:$0x3FB9] =	sst s0;
	s0 =	simm.s32 @!p2 $0x0  }
0x16: {  	s3 =	sld [smem:$0x3FDB];
	s0 =	simm.s32 @p2 $0x1  }
0x17: {  	s4 =	simm.s32 $0x1BF5;
	[smem:$0x3FBB] =	sst s0  }
0x18: {  	s0 =	sld [smem:$0x3F9E];
	_ =	swait.ge [sflag:s4], $0x0  }
0x19: {  	s7 =	sld [smem:$0x3F9F]  }
0x1a: {  	s8 =	sadd.s32 $0xFFFFE003, lr  }
0x1b: {  	s9 =	sadd.s32 $0xFFFFFEF7, lr;
	s5 =	simm.s32 $0xFFFFFFFF;
	p2 =	slt.u32 s8, $0xFFFFF086  }
0x1c: {  	p1 =	slt.u32 s9, $0xF7A;
	s5 =	simm.s32 @!p2 $0x0  }
0x1d: {  	s5 =	simm.s32 @p1 $0x1;
	p0 =	seq.s32 s7, s2  }
0x1e: {  	s7 =	smul.u32 @!p0 $0xF7A, s2;
	p2 =	seq.s32 @!p0 s5, $0x0  }
0x1f: {  	s9 =	smul.u32 $0xF7A, s1;
	s8 =	simm.s32 @!p0 $0x1BF5;
	p2 =	por !p2, p0  }
0x20: {  	[sflag:s8] =	ssyncset.s32 @!p0 $0xFFFFF086;
	s6 =	sadd.s32 @!p0 s3, s7;
	s7 =	simm.s32 @!p0 $0x108  }
0x21: {  	s3 =	sadd.s32 s3, s9;
	s6 =	sadd.s32 @!p0 $0x88, s6;
	s7 =	simm.s32 @p2 $0x1082  }
0x22: {  	[simem:s7], [sflag:s8] =	dma.local @!p0 [hbm:s6], $0xF7A  }
0x23: {  	s9 =	sor.u32 $0xD0000000, s2;
	s6 =	simm.s32 $0x108;
	_ =	swait.ge @!p0 [sflag:s8], $0x0  }
0x24: {  	s3 =	sadd.s32 $0x88, s3;
	s6 =	simm.s32 @!p1 $0x1082;
	[sflag:s4] =	ssyncset.s32 $0xFFFFF086  }
0x25: {  	[simem:s6], [sflag:s4] =	dma.local [hbm:s3], $0xF7A  }
0x26: {  	[smem:$0x3F9F] =	sst s1;
	(tag) =	ssettag s2;
	_ =	strace s9  }
0x27: {  	s1 =	sld [smem:$0x3FAF]  }
0x28: {  	s2 =	sld [smem:$0x3FB0]  }
0x29: {  	s4 =	sld [smem:$0x3FB2]  }
0x2a: {  	p0 =	seq.s32 s5, $0x0;
	s5 =	sld [smem:$0x3FB3]  }
0x2b: {  	s6 =	sld [smem:$0x3FB4]  }
0x2c: {  	s7 =	sld [smem:$0x3FB5]  }
0x2d: {  	s3 =	simm.s32 $0x108;
	s8 =	sld [smem:$0x3FB6]  }
0x2e: {  	s3 =	simm.s32 @!p0 $0x1082;
	s9 =	sld [smem:$0x3FB7]  }
0x2f: {  	lr =	sadd.s32 s0, s3;
	s0 =	sld [smem:$0x3FAE]  }
0x30: {  	s3 =	sld [smem:$0x3FB1]  }
0x31: {  	[smem:$0x3FBA] =	sst s10  }
0x32: {  	s10 =	sld [smem:$0x3FB8];
	_ =	sdelay $0x3  }
0x33: {  	p0 =	seq.s32 s10, $0x1;
	s10 =	sld [smem:$0x3FBA];
	_ =	sdelay $0x3  }
0x34: {  	[smem:$0x3FBA] =	sst s10  }
0x35: {  	s10 =	sld [smem:$0x3FB9];
	_ =	sdelay $0x3  }
0x36: {  	p1 =	seq.s32 s10, $0x1;
	s10 =	sld [smem:$0x3FBA];
	_ =	sdelay $0x3  }
0x37: {  	[smem:$0x3FBA] =	sst s10  }
0x38: {  	s10 =	sld [smem:$0x3FBB]  }
0x39: {  	_ = 	snop;
	(pc) =	sbr.ind lr, $3  }
0x3a: {  	_ = 	snop  }
0x3b: {  	_ = 	snop  }
0x3c: {  	p2 =	seq.s32 s10, $0x1;
	s10 =	sld [smem:$0x3FBA]  }
0x3d: {  	_ =	shalt  }
0x3e: {  	_ =	shalt  }
0x3f: {  	_ =	shalt  }
0x40: {  	_ =	shalt  }
0x41: {  	_ =	shalt  }
0x42: {  	_ =	shalt  }
0x43: {  	_ =	shalt  }
0x44: {  	_ =	shalt  }
0x45: {  	_ =	shalt  }
0x46: {  	_ =	shalt  }
0x47: {  	_ =	shalt  }
0x48: {  	_ =	shalt  }
0x49: {  	_ =	shalt  }
0x4a: {  	_ =	shalt  }
0x4b: {  	_ =	shalt  }
0x4c: {  	_ =	shalt  }
0x4d: {  	_ =	shalt  }
0x4e: {  	_ =	shalt  }
0x4f: {  	_ =	shalt  }
0x50: {  	_ =	shalt  }
0x51: {  	_ =	shalt  }
0x52: {  	_ =	shalt  }
0x53: {  	_ =	shalt  }
0x54: {  	_ =	shalt  }
0x55: {  	_ =	shalt  }
0x56: {  	_ =	shalt  }
0x57: {  	_ =	shalt  }
0x58: {  	_ =	shalt  }
0x59: {  	_ =	shalt  }
0x5a: {  	_ =	shalt  }
0x5b: {  	_ =	shalt  }
0x5c: {  	_ =	shalt  }
0x5d: {  	_ =	shalt  }
0x5e: {  	_ =	shalt  }
0x5f: {  	_ =	shalt  }
0x60: {  	_ =	shalt  }
0x61: {  	_ =	shalt  }
0x62: {  	_ =	shalt  }
0x63: {  	_ =	shalt  }
0x64: {  	_ =	shalt  }
0x65: {  	_ =	shalt  }
0x66: {  	_ =	shalt  }
0x67: {  	_ =	shalt  }
0x68: {  	_ =	shalt  }
0x69: {  	_ =	shalt  }
0x6a: {  	_ =	shalt  }
0x6b: {  	_ =	shalt  }
0x6c: {  	_ =	shalt  }
0x6d: {  	_ =	shalt  }
0x6e: {  	_ =	shalt  }
0x6f: {  	_ =	shalt  }
0x70: {  	_ =	shalt  }
0x71: {  	_ =	shalt  }
0x72: {  	_ =	shalt  }
0x73: {  	_ =	shalt  }
0x74: {  	_ =	shalt  }
0x75: {  	_ =	shalt  }
0x76: {  	_ =	shalt  }
0x77: {  	_ =	shalt  }
0x78: {  	_ =	shalt  }
0x79: {  	_ =	shalt  }
0x7a: {  	_ =	shalt  }
0x7b: {  	_ =	shalt  }
0x7c: {  	_ =	shalt  }
0x7d: {  	_ =	shalt  }
0x7e: {  	_ =	shalt  }
0x7f: {  	_ =	shalt  }
0x80: {  	_ =	shalt  }
0x81: {  	_ =	shalt  }
0x82: {  	_ =	shalt  }
0x83: {  	_ =	shalt  }
0x84: {  	_ =	shalt  }
0x85: {  	_ =	shalt  }
0x86: {  	_ =	shalt  }
0x87: {  	_ =	shalt  }
.Lfunc_end0:
.L_simem_size_0:
called_computation.1_lowered:
.L_overlay_start_0:
0x88: {  	s2 =	sld [smem:$0x3FD9]  }
0x89: {  	s3 =	sld [smem:$0x3FFE];
	_ =	sdelay $0x1  }
0x8a: {  	s1 =	srdreg.scid  }
0x8b: {  	s0 =	sand.u32 $0x1, s1  }
0x8c: {  	s17 =	sshll.u32 s0, $0xA;
	s2 =	sadd.s32 s3, s2  }
0x8d: {  	s2 =	sadd.s32 s2, s17  }
0x8e: {  	[smem:$0x3FC6] =	sst s2  }
0x8f: {  	_ = 	snop  }
0x90: {  	s2 =	sld [smem:$0x3FC8]  }
0x91: {  	s18 =	sld [smem:$0x3FD0];
	(tm) =	ssettm $0x1  }
0x92: {  	s4 =	sld [smem:$0x3FFB];
	_ =	sdelay $0x3  }
0x93: {  	_ =	strace s4  }
0x94: {  	s4 =	sld [smem:$0x3FFC];
	_ =	sdelay $0x3  }
0x95: {  	_ =	strace s4  }
0x96: {  	s4 =	sld [smem:$0x3FFD];
	_ =	sdelay $0x3  }
0x97: {  	_ =	strace s4  }
0x98: {  	_ =	strace $0x8FFFFFFF  }
0x99: {  	s19 =	sld [smem:$0x3FDB];
	_ =	sdelay $0x1  }
0x9a: {  	s5 =	simm.s32 $_scs_section_size  }
0x9b: {  	s6 =	simm.s32 $_size__tile_overlayer_lowered;
	s7 =	simm.s32 $_tile_overlayer_lowered  }
0x9c: {  	s22 =	simm.s32 $0x1BFF;
	s21 =	sshll.u32 s7, $0x1;
	s4 =	sadd.s32 s5, s19  }
0x9d: {  	s8 =	simm.s32 $0x0;
	s20 =	sshll.u32 s6, $0x1;
	s6 =	sadd.s32 s21, s4  }
0x9e: {  	[timem:s8], [sflag:s22] =	dma.local [hbm:s6], s20  }
0x9f: {  	_ =	swait.ge [sflag:s22], s20  }
0xa0: {  	s5 =	ssub.s32 $0x0, s20;
	[sflag:s22] =	ssyncset.done $0x0  }
0xa1: {  	[sflag:s22] =	ssyncadd.s32 s5;
	_ =	sdelay $0x1  }
0xa2: {  	s23 =	simm.s32 $0x1B8B  }
0xa3: {  	_ =	swait.ge [sflag:s23], $0x1  }
0xa4: {  	[sflag:s23] =	ssyncset.done $0x0  }
0xa5: {  	s25 =	simm.s32 $0x1B8E;
	s24 =	sld [smem:$0x3FFE];
	[sflag:s23] =	ssyncadd.s32 $0xFFFFFFFF  }
0xa6: {  	s26 =	simm.s32 $execute0_lowered;
	[smem:$0x3FD2] =	sst s25  }
0xa7: {  	s6 =	sshll.u32 s26, $0x1;
	_ =	strace $0x80000049;
	[dreg:$0x1] =	wrdreg $0xFFFFFFFF  }
0xa8: {  	s28 =	simm.s32 $_size_execute0_lowered;
	s4 =	sadd.s32 s4, s6;
	[dreg:$0x0] =	wrdreg $0x0  }
0xa9: {  	s6 =	sshll.u32 s28, $0x1;
	[dreg:$0x2] =	wrdreg s4  }
0xaa: {  	[dreg:$0x3] =	wrdreg s6  }
0xab: {  	[dreg:$0x4] =	wrdreg $0xC0  }
0xac: {  	_ =	task [dreg:s8], $0x5FFFF  }
0xad: {  	[dreg:$0x1] =	wrdreg $0xFFFFFFFF  }
0xae: {  	[dreg:$0x0] =	wrdreg $0x60  }
0xaf: {  	[dreg:$0x2] =	wrdreg s2  }
0xb0: {  	[dreg:$0x3] =	wrdreg s24  }
0xb1: {  	[dreg:$0x4] =	wrdreg s18  }
0xb2: {  	[dreg:$0x5] =	wrdreg $0x9  }
0xb3: {  	_ =	task.clear_ibuf [dreg:s8], $0x6FFFF;
	_ =	strace $0x90000049  }
0xb4: {  	s29 =	simm.s32 $0x9;
	_ =	strace $0x8000004B  }
0xb5: {  	_ =	swait.ge [sflag:s29], $0x1  }
0xb6: {  	[sflag:s29] =	ssyncadd.s32 $0xFFFFFFFF  }
0xb7: {  	_ =	strace $0x9000004B  }
0xb8: {  	_ =	sfence  }
0xb9: {  	s30 =	sld [smem:$0x0];
	_ =	sdelay $0x2  }
0xba: {  	s31 =	sshll.u32 s1, $0xD;
	s1 =	sshrl.u32 s1, $0x2  }
0xbb: {  	s3 =	sand.u32 $0x4000, s31;
	s1 =	sadd.s32 s1, s30  }
0xbc: {  	s0 =	sor.u32 s3, s0;
	s1 =	sshll.u32 s1, $0x11  }
0xbd: {  	s0 =	sor.u32 s1, s0  }
0xbe: {  	s0 =	sadd.s32 $0x8F2B, s0  }
0xbf: {  	[sflag:s0] =	ssyncadd.remote.s32 $0x1  }
0xc0: {  	_ =	sfence.sel $0xFFFF  }
0xc1: {  	[dreg:$0x0] =	wrdreg $0xFFFFFFFF;
	(pc) =	sbr.abs _section_cstart, $3  }
0xc2: {  	[dreg:$0x1] =	wrdreg $0xFFFFFFFF  }
0xc3: {  	_ =	task.clear_ibuf [dreg:s8], $0x2FFFF;
	_ =	strace $0x9FFFFFFF  }
0xc4: {  	(tm) =	ssettm $0x7FFFFFFF  }
0xc5: {  	_ =	shalt  }
tec
execute0_lowered:
.L_overlay_start_1:
0x0: {  	(tag) =	ssettag $0x1  }
0x1: {  	s1 =	rddreg [dreg:$0x0]  }
0x2: {  	s4 =	rddreg [dreg:$0x1]  }
0x3: {  	s9 =	rddreg [dreg:$0x2]  }
0x4: {  	s0 =	rddreg [dreg:$0x3]  }
0x5: {  	s3 =	simm.s32 $0x0;
	s5 =	srdreg.scid;
	s2 =	stileid.u32  }
0x6: {  	s13 =	simm.s32 $0x3;
	s14 =	simm.s32 $0x1;
	s15 =	simm.s32 $0x8000  }
0x7: {  	s16 =	simm.s32 $0x2;
	s17 =	simm.s32 $0x80;
	s18 =	simm.s32 $0x400  }
0x8: {  	s19 =	simm.s32 $0x0;
	[smem:$0x7FF] =	sst s3;
	s5 =	sand.u32 $0x1, s5  }
0x9: {  	s6 =	sshll.u32 s2, $0x1;
	s4 =	sadd.s32 $0x200, s4;
	s7 =	ssub.s32 $0x2, s5  }
0xa: {  	_ =	strace $0x8000004A;
	s5 =	sor.u32 s5, s6;
	s28 =	sshrl.u32 s7, $0x1  }
0xb: {  	s8 =	sshll.u32 s5, $0x10;
	s10 =	sshll.u32 s5, $0x7;
	s30 =	sshll.u32 s5, $0x5  }
0xc: {  	s11 =	ssub.s32 s7, s28;
	s29 =	sor.u32 s10, s8;
	s5 =	sadd.s32 s1, s8  }
0xd: {  	s7 =	sor.u32 $0x2, s30;
	s8 =	sor.u32 $0x3, s30;
	s31 =	sand.u32 $0x180380, s29  }
0xe: {  	s6 =	sadd.s32 $0x800, s5;
	s10 =	smax.u32 s11, $0x1;
	s12 =	sshrl.u32 s31, $0x3  }
0xf: {  	v0 =	vimm.s32 $0x0;
	v1 =	vimm.s32 $0x1;
	s11 =	simm.s32 $0x4000;
	s9 =	sadd.s32 s9, s12;
	s12 =	simm.s32 $0x18000  }
.LBB2_1:
0x10: {  	[tilespmem:s3], [sflag:$0x1] =	stream.linear.gather [hbm4b:s5+s3], $0x4000, $0x38;
	[tilespmem:$0x18080] =	vst v63  }
0x11: {  	s20 =	simm.s32 $0x8040  }
0x12: {  	[tilespmem:s11], [sflag:$0x2] =	stream.linear.gather [hbm4b:s6+s3], $0x4000, $0x38;
	[tilespmem:$0x18080] =	vst v63  }
0x13: {  	[tilespmem:s20+$0xFFFFFFC0] =	vst v0  }
0x14: {  	[tilespmem:s20+$0x30] =	vst v0  }
0x15: {  	[tilespmem:s20+$0x20] =	vst v0  }
0x16: {  	[tilespmem:s20+$0x10] =	vst v0  }
0x17: {  	[tilespmem:s20+$0x0] =	vst v0  }
0x18: {  	[tilespmem:s20+$0xFFFFFFF0] =	vst v0  }
0x19: {  	s21 =	simm.s32 $0x0;
	[tilespmem:s20+$0xFFFFFFE0] =	vst v0  }
.LBB2_2:
0x1a: {  	s21 =	sadd.s32 $0x8, s21;
	[tilespmem:s20+$0xFFFFFFD0] =	vst v0;
	s20 =	sadd.s32 $0x80, s20  }
0x1b: {  	[tilespmem:s20+$0xFFFFFFC0] =	vst v0;
	p0 =	slt.u32 s21, $0xFF8  }
0x1c: {  	[tilespmem:s20+$0x30] =	vst v0  }
.Ltmp0:
0x1d: {  	[tilespmem:s20+$0x20] =	vst v0;
	(pc) =	sbr.rel @p0 .LBB2_2-.Ltmp0, $4  }
0x1e: {  	[tilespmem:s20+$0x10] =	vst v0  }
0x1f: {  	[tilespmem:s20+$0x0] =	vst v0  }
0x20: {  	[tilespmem:s20+$0xFFFFFFF0] =	vst v0  }
0x21: {  	[tilespmem:s20+$0xFFFFFFE0] =	vst v0  }
0x22: {  	[tilespmem:s20+$0xFFFFFFD0] =	vst v0;
	s20 =	simm.s32 $0x0  }
0x23: {  	[tilespmem:s12], [sflag:$0x3] =	stream.linear.gather [hbm4b:s4+s20], $0x80, $0x38;
	[tilespmem:$0x18080] =	vst v63  }
0x24: {  	_ =	swait.ge [sflag:s13], $0x80  }
0x25: {  	[sflag:s13] =	ssyncset.done $0x0  }
0x26: {  	[sflag:s13] =	ssyncadd.s32 $0xFFFFFF80  }
0x27: {  	s21 =	simm.s32 $0x0;
	v2 =	vld [tilespmem:$0x18000]  }
.LBB2_4:
0x28: {  	_ =	swait.ge [sflag:s14], $0x4000;
	s22 =	simm.s32 $0x0  }
0x29: {  	s24 =	sand.u32 $0x3800, s20;
	[sflag:s14] =	ssyncset.done $0x0;
	s23 =	sand.u32 $0x380, s22  }
0x2a: {  	[sflag:s14] =	ssyncadd.s32 $0xFFFFC000;
	s23 =	sor.u32 s23, s24  }
0x2b: {  	v3 =	vld [tilespmem:s23+$0x470]  }
0x2c: {  	v4 =	vld [tilespmem:s23+$0x0]  }
0x2d: {  	v5 =	vld [tilespmem:s23+$0x10]  }
0x2e: {  	v6 =	vld [tilespmem:s23+$0x20]  }
0x2f: {  	v7 =	vld [tilespmem:s23+$0x30]  }
0x30: {  	v8 =	vld [tilespmem:s23+$0x40];
	v9 =	vand.u32 $0xFFFF0000, v3  }
0x31: {  	v10 =	vld [tilespmem:s23+$0x50];
	vm0 =	veq.s32 v9, v2  }
0x32: {  	v58 =	vld [tilespmem:s23+$0x60];
	v3 =	vand.u32 $0xFFFF, v3  }
0x33: {  	v11 =	vld [tilespmem:s23+$0x70]  }
0x34: {  	v12 =	vld [tilespmem:s23+$0x400]  }
0x35: {  	v14 =	vld [tilespmem:s23+$0x410];
	v13 =	vand.u32 $0xFFFF0000, v4;
	v59 =	vand.u32 $0xFFFF0000, v5  }
0x36: {  	v15 =	vld [tilespmem:s23+$0x420];
	v4 =	vand.u32 $0xFFFF, v4;
	v60 =	vand.u32 $0xFFFF0000, v6;
	vm1 =	veq.s32 v13, v2  }
0x37: {  	vm2 =	veq.s32 v59, v2;
	[tilespmem:v3+s15+$0x0] =	vst.idx.add.s32.msk vm0, v1;
	v3 =	vand.u32 $0xFFFF, v5;
	v5 =	vand.u32 $0xFFFF0000, v7  }
0x38: {  	v61 =	vld [tilespmem:s23+$0x430];
	vm0 =	veq.s32 v60, v2;
	vm3 =	veq.s32 v5, v2;
	v5 =	vand.u32 $0xFFFF0000, v8  }
0x39: {  	v16 =	vld [tilespmem:s23+$0x440];
	v6 =	vand.u32 $0xFFFF, v6;
	vm4 =	veq.s32 v5, v2;
	v5 =	vand.u32 $0xFFFF0000, v10  }
0x3a: {  	v17 =	vld [tilespmem:s23+$0x450];
	v7 =	vand.u32 $0xFFFF, v7;
	vm5 =	veq.s32 v5, v2;
	v5 =	vand.u32 $0xFFFF0000, v58  }
0x3b: {  	v18 =	vld [tilespmem:s23+$0x460];
	v8 =	vand.u32 $0xFFFF, v8;
	vm6 =	veq.s32 v5, v2;
	v5 =	vand.u32 $0xFFFF0000, v11  }
0x3c: {  	[tilespmem:v4+s15+$0x0] =	vst.idx.add.s32.msk vm1, v1;
	v4 =	vand.u32 $0xFFFF, v58;
	vm1 =	veq.s32 v5, v2;
	v5 =	vand.u32 $0xFFFF0000, v12  }
0x3d: {  	[tilespmem:v3+s15+$0x0] =	vst.idx.add.s32.msk vm2, v1;
	v3 =	vand.u32 $0xFFFF, v11;
	vm2 =	veq.s32 v5, v2  }
0x3e: {  	v5 =	vand.u32 $0xFFFF0000, v14;
	[tilespmem:v6+s15+$0x0] =	vst.idx.add.s32.msk vm0, v1;
	v6 =	vand.u32 $0xFFFF, v12  }
0x3f: {  	v10 =	vand.u32 $0xFFFF, v10;
	vm7 =	veq.s32 v5, v2;
	v5 =	vand.u32 $0xFFFF0000, v15;
	[tilespmem:v7+s15+$0x0] =	vst.idx.add.s32.msk vm3, v1  }
0x40: {  	v7 =	vand.u32 $0xFFFF, v14;
	vm3 =	veq.s32 v5, v2;
	v5 =	vand.u32 $0xFFFF0000, v61;
	[tilespmem:v8+s15+$0x0] =	vst.idx.add.s32.msk vm4, v1  }
0x41: {  	v62 =	vand.u32 $0xFFFF, v15;
	vm15 =	veq.s32 v5, v2;
	[tilespmem:v4+s15+$0x0] =	vst.idx.add.s32.msk vm6, v1;
	v4 =	vand.u32 $0xFFFF0000, v16  }
0x42: {  	v63 =	vand.u32 $0xFFFF, v61;
	v5 =	vand.u32 $0xFFFF0000, v17;
	[tilespmem:v3+s15+$0x0] =	vst.idx.add.s32.msk vm1, v1;
	vm0 =	veq.s32 v4, v2  }
0x43: {  	v3 =	vand.u32 $0xFFFF, v16;
	vm1 =	veq.s32 v5, v2;
	[tilespmem:v6+s15+$0x0] =	vst.idx.add.s32.msk vm2, v1;
	v6 =	vand.u32 $0xFFFF0000, v18  }
0x44: {  	[tilespmem:v10+s15+$0x0] =	vst.idx.add.s32.msk vm5, v1;
	v4 =	vand.u32 $0xFFFF, v17;
	vm2 =	veq.s32 v6, v2  }
0x45: {  	v5 =	vand.u32 $0xFFFF, v18;
	[tilespmem:v7+s15+$0x0] =	vst.idx.add.s32.msk vm7, v1  }
0x46: {  	[tilespmem:v62+s15+$0x0] =	vst.idx.add.s32.msk vm3, v1  }
0x47: {  	s23 =	simm.s32 $0x0;
	[tilespmem:v63+s15+$0x0] =	vst.idx.add.s32.msk vm15, v1  }
.LBB2_5:
0x48: {  	s22 =	sadd.s32 $0x10, s22;
	[tilespmem:v3+s15+$0x0] =	vst.idx.add.s32.msk vm0, v1;
	s23 =	sadd.s32 $0x800, s23  }
0x49: {  	s24 =	sand.u32 $0x380, s22;
	s25 =	sand.u32 $0x3800, s23;
	p0 =	slt.u32 s22, $0x3F0;
	[tilespmem:v4+s15+$0x0] =	vst.idx.add.s32.msk vm1, v1  }
0x4a: {  	s24 =	sor.u32 s24, s25;
	[tilespmem:v5+s15+$0x0] =	vst.idx.add.s32.msk vm2, v1  }
0x4b: {  	v3 =	vld [tilespmem:s24+$0x470]  }
0x4c: {  	v4 =	vld [tilespmem:s24+$0x0]  }
0x4d: {  	v5 =	vld [tilespmem:s24+$0x10]  }
0x4e: {  	v6 =	vld [tilespmem:s24+$0x20]  }
0x4f: {  	v7 =	vld [tilespmem:s24+$0x30]  }
0x50: {  	v8 =	vld [tilespmem:s24+$0x40];
	v9 =	vand.u32 $0xFFFF0000, v3  }
0x51: {  	v10 =	vand.u32 $0xFFFF0000, v4;
	v4 =	vand.u32 $0xFFFF, v4;
	v11 =	vld [tilespmem:s24+$0x50];
	vm6 =	veq.s32 v9, v2  }
0x52: {  	v3 =	vand.u32 $0xFFFF, v3;
	vm0 =	veq.s32 v10, v2;
	v9 =	vand.u32 $0xFFFF0000, v5;
	v10 =	vld [tilespmem:s24+$0x60]  }
0x53: {  	v5 =	vand.u32 $0xFFFF, v5;
	vm1 =	veq.s32 v9, v2;
	v9 =	vand.u32 $0xFFFF0000, v6;
	v12 =	vld [tilespmem:s24+$0x70]  }
0x54: {  	v6 =	vand.u32 $0xFFFF, v6;
	vm2 =	veq.s32 v9, v2;
	v9 =	vand.u32 $0xFFFF0000, v7;
	v13 =	vld [tilespmem:s24+$0x400]  }
0x55: {  	v7 =	vand.u32 $0xFFFF, v7;
	vm3 =	veq.s32 v9, v2;
	v9 =	vand.u32 $0xFFFF0000, v8;
	v14 =	vld [tilespmem:s24+$0x410]  }
0x56: {  	v8 =	vand.u32 $0xFFFF, v8;
	vm4 =	veq.s32 v9, v2;
	v9 =	vand.u32 $0xFFFF0000, v11;
	v15 =	vld [tilespmem:s24+$0x420]  }
0x57: {  	vm5 =	veq.s32 v9, v2;
	v9 =	vand.u32 $0xFFFF, v11;
	v11 =	vand.u32 $0xFFFF0000, v10;
	[tilespmem:v3+s15+$0x0] =	vst.idx.add.s32.msk vm6, v1  }
0x58: {  	v10 =	vand.u32 $0xFFFF, v10;
	vm6 =	veq.s32 v11, v2;
	v3 =	vand.u32 $0xFFFF0000, v12;
	v11 =	vld [tilespmem:s24+$0x430]  }
0x59: {  	v12 =	vand.u32 $0xFFFF, v12;
	vm7 =	veq.s32 v3, v2;
	v3 =	vand.u32 $0xFFFF0000, v13;
	v16 =	vld [tilespmem:s24+$0x440]  }
0x5a: {  	v13 =	vand.u32 $0xFFFF, v13;
	vm8 =	veq.s32 v3, v2;
	v3 =	vand.u32 $0xFFFF0000, v14;
	v17 =	vld [tilespmem:s24+$0x450]  }
0x5b: {  	v14 =	vand.u32 $0xFFFF, v14;
	vm9 =	veq.s32 v3, v2;
	v3 =	vand.u32 $0xFFFF0000, v15;
	v18 =	vld [tilespmem:s24+$0x460]  }
0x5c: {  	v15 =	vand.u32 $0xFFFF, v15;
	[tilespmem:v4+s15+$0x0] =	vst.idx.add.s32.msk vm0, v1;
	vm10 =	veq.s32 v3, v2  }
0x5d: {  	[tilespmem:v5+s15+$0x0] =	vst.idx.add.s32.msk vm1, v1;
	v3 =	vand.u32 $0xFFFF0000, v11;
	v11 =	vand.u32 $0xFFFF, v11  }
0x5e: {  	[tilespmem:v6+s15+$0x0] =	vst.idx.add.s32.msk vm2, v1;
	vm11 =	veq.s32 v3, v2;
	v4 =	vand.u32 $0xFFFF0000, v16;
	v3 =	vand.u32 $0xFFFF, v16  }
0x5f: {  	[tilespmem:v7+s15+$0x0] =	vst.idx.add.s32.msk vm3, v1;
	vm0 =	veq.s32 v4, v2;
	v5 =	vand.u32 $0xFFFF0000, v17;
	v4 =	vand.u32 $0xFFFF, v17  }
0x60: {  	[tilespmem:v8+s15+$0x0] =	vst.idx.add.s32.msk vm4, v1;
	vm1 =	veq.s32 v5, v2;
	v6 =	vand.u32 $0xFFFF0000, v18;
	v5 =	vand.u32 $0xFFFF, v18  }
0x61: {  	[tilespmem:v9+s15+$0x0] =	vst.idx.add.s32.msk vm5, v1;
	vm2 =	veq.s32 v6, v2  }
0x62: {  	[tilespmem:v10+s15+$0x0] =	vst.idx.add.s32.msk vm6, v1  }
.Ltmp1:
0x63: {  	[tilespmem:v12+s15+$0x0] =	vst.idx.add.s32.msk vm7, v1;
	(pc) =	sbr.rel @p0 .LBB2_5-.Ltmp1, $4  }
0x64: {  	[tilespmem:v13+s15+$0x0] =	vst.idx.add.s32.msk vm8, v1  }
0x65: {  	[tilespmem:v14+s15+$0x0] =	vst.idx.add.s32.msk vm9, v1  }
0x66: {  	[tilespmem:v15+s15+$0x0] =	vst.idx.add.s32.msk vm10, v1  }
0x67: {  	[tilespmem:v11+s15+$0x0] =	vst.idx.add.s32.msk vm11, v1  }
0x68: {  	_ =	sdelay $0x1  }
0x69: {  	s22 =	sshll.u32 s21, $0x1  }
0x6a: {  	s23 =	smin.u32 s22, $0x1D  }
0x6b: {  	s24 =	sadd.s32 s23, s7;
	s23 =	sshll.u32 s23, $0xB  }
0x6c: {  	[tilespmem:v3+s15+$0x0] =	vst.idx.add.s32.msk vm0, v1;
	s24 =	sshll.u32 s24, $0xB;
	s23 =	sand.u32 $0x800, s23  }
0x6d: {  	[tilespmem:v4+s15+$0x0] =	vst.idx.add.s32.msk vm1, v1;
	s24 =	sand.u32 $0x3FF000, s24;
	s23 =	sadd.s32 s1, s23  }
0x6e: {  	[tilespmem:v5+s15+$0x0] =	vst.idx.add.s32.msk vm2, v1;
	s24 =	sadd.s32 s24, s23;
	s23 =	simm.s32 $0x0  }
0x6f: {  	[tilespmem:s23], [sflag:$0x1] =	stream.linear.gather [hbm4b:s24+s23], $0x4000, $0x38;
	[tilespmem:$0x18080] =	vst v63  }
0x70: {  	s24 =	simm.s32 $0x0;
	_ =	swait.ge [sflag:s16], $0x4000  }
0x71: {  	s26 =	sand.u32 $0x3800, s23;
	s25 =	sand.u32 $0x380, s24;
	[sflag:s16] =	ssyncset.done $0x0  }
0x72: {  	s25 =	sor.u32 s25, s26;
	[sflag:s16] =	ssyncadd.s32 $0xFFFFC000  }
0x73: {  	v3 =	vld [tilespmem:s25+$0x4470]  }
0x74: {  	v4 =	vld [tilespmem:s25+$0x4000]  }
0x75: {  	v5 =	vld [tilespmem:s25+$0x4010]  }
0x76: {  	v6 =	vld [tilespmem:s25+$0x4020]  }
0x77: {  	v7 =	vld [tilespmem:s25+$0x4030]  }
0x78: {  	v8 =	vld [tilespmem:s25+$0x4040];
	v9 =	vand.u32 $0xFFFF0000, v3  }
0x79: {  	v10 =	vld [tilespmem:s25+$0x4050];
	vm0 =	veq.s32 v9, v2  }
0x7a: {  	v58 =	vld [tilespmem:s25+$0x4060];
	v3 =	vand.u32 $0xFFFF, v3  }
0x7b: {  	v11 =	vld [tilespmem:s25+$0x4070]  }
0x7c: {  	v12 =	vld [tilespmem:s25+$0x4400]  }
0x7d: {  	v14 =	vld [tilespmem:s25+$0x4410];
	v13 =	vand.u32 $0xFFFF0000, v4;
	v59 =	vand.u32 $0xFFFF0000, v5  }
0x7e: {  	v15 =	vld [tilespmem:s25+$0x4420];
	v4 =	vand.u32 $0xFFFF, v4;
	v60 =	vand.u32 $0xFFFF0000, v6;
	vm1 =	veq.s32 v13, v2  }
0x7f: {  	vm2 =	veq.s32 v59, v2;
	[tilespmem:v3+s15+$0x0] =	vst.idx.add.s32.msk vm0, v1;
	v3 =	vand.u32 $0xFFFF, v5;
	v5 =	vand.u32 $0xFFFF0000, v7  }
0x80: {  	v61 =	vld [tilespmem:s25+$0x4430];
	vm0 =	veq.s32 v60, v2;
	vm3 =	veq.s32 v5, v2;
	v5 =	vand.u32 $0xFFFF0000, v8  }
0x81: {  	v16 =	vld [tilespmem:s25+$0x4440];
	v6 =	vand.u32 $0xFFFF, v6;
	vm4 =	veq.s32 v5, v2;
	v5 =	vand.u32 $0xFFFF0000, v10  }
0x82: {  	v17 =	vld [tilespmem:s25+$0x4450];
	v7 =	vand.u32 $0xFFFF, v7;
	vm5 =	veq.s32 v5, v2;
	v5 =	vand.u32 $0xFFFF0000, v58  }
0x83: {  	v18 =	vld [tilespmem:s25+$0x4460];
	v8 =	vand.u32 $0xFFFF, v8;
	vm6 =	veq.s32 v5, v2;
	v5 =	vand.u32 $0xFFFF0000, v11  }
0x84: {  	[tilespmem:v4+s15+$0x0] =	vst.idx.add.s32.msk vm1, v1;
	v4 =	vand.u32 $0xFFFF, v58;
	vm1 =	veq.s32 v5, v2;
	v5 =	vand.u32 $0xFFFF0000, v12  }
0x85: {  	[tilespmem:v3+s15+$0x0] =	vst.idx.add.s32.msk vm2, v1;
	v3 =	vand.u32 $0xFFFF, v11;
	vm2 =	veq.s32 v5, v2  }
0x86: {  	v5 =	vand.u32 $0xFFFF0000, v14;
	[tilespmem:v6+s15+$0x0] =	vst.idx.add.s32.msk vm0, v1;
	v6 =	vand.u32 $0xFFFF, v12  }
0x87: {  	v10 =	vand.u32 $0xFFFF, v10;
	vm7 =	veq.s32 v5, v2;
	v5 =	vand.u32 $0xFFFF0000, v15;
	[tilespmem:v7+s15+$0x0] =	vst.idx.add.s32.msk vm3, v1  }
0x88: {  	v7 =	vand.u32 $0xFFFF, v14;
	vm3 =	veq.s32 v5, v2;
	v5 =	vand.u32 $0xFFFF0000, v61;
	[tilespmem:v8+s15+$0x0] =	vst.idx.add.s32.msk vm4, v1  }
0x89: {  	v62 =	vand.u32 $0xFFFF, v15;
	vm15 =	veq.s32 v5, v2;
	[tilespmem:v4+s15+$0x0] =	vst.idx.add.s32.msk vm6, v1;
	v4 =	vand.u32 $0xFFFF0000, v16  }
0x8a: {  	v63 =	vand.u32 $0xFFFF, v61;
	v5 =	vand.u32 $0xFFFF0000, v17;
	[tilespmem:v3+s15+$0x0] =	vst.idx.add.s32.msk vm1, v1;
	vm0 =	veq.s32 v4, v2  }
0x8b: {  	v3 =	vand.u32 $0xFFFF, v16;
	vm1 =	veq.s32 v5, v2;
	[tilespmem:v6+s15+$0x0] =	vst.idx.add.s32.msk vm2, v1;
	v6 =	vand.u32 $0xFFFF0000, v18  }
0x8c: {  	[tilespmem:v10+s15+$0x0] =	vst.idx.add.s32.msk vm5, v1;
	v4 =	vand.u32 $0xFFFF, v17;
	vm2 =	veq.s32 v6, v2  }
0x8d: {  	v5 =	vand.u32 $0xFFFF, v18;
	[tilespmem:v7+s15+$0x0] =	vst.idx.add.s32.msk vm7, v1  }
0x8e: {  	[tilespmem:v62+s15+$0x0] =	vst.idx.add.s32.msk vm3, v1  }
0x8f: {  	[tilespmem:v63+s15+$0x0] =	vst.idx.add.s32.msk vm15, v1  }
.LBB2_7:
0x90: {  	s24 =	sadd.s32 $0x10, s24;
	[tilespmem:v3+s15+$0x0] =	vst.idx.add.s32.msk vm0, v1;
	s23 =	sadd.s32 $0x800, s23  }
0x91: {  	s25 =	sand.u32 $0x380, s24;
	s26 =	sand.u32 $0x3800, s23;
	p0 =	slt.u32 s24, $0x3F0;
	[tilespmem:v4+s15+$0x0] =	vst.idx.add.s32.msk vm1, v1  }
0x92: {  	s25 =	sor.u32 s25, s26;
	[tilespmem:v5+s15+$0x0] =	vst.idx.add.s32.msk vm2, v1  }
0x93: {  	v3 =	vld [tilespmem:s25+$0x4470]  }
0x94: {  	v4 =	vld [tilespmem:s25+$0x4000]  }
0x95: {  	v5 =	vld [tilespmem:s25+$0x4010]  }
0x96: {  	v6 =	vld [tilespmem:s25+$0x4020]  }
0x97: {  	v7 =	vld [tilespmem:s25+$0x4030]  }
0x98: {  	v8 =	vld [tilespmem:s25+$0x4040];
	v9 =	vand.u32 $0xFFFF0000, v3  }
0x99: {  	v10 =	vand.u32 $0xFFFF0000, v4;
	v4 =	vand.u32 $0xFFFF, v4;
	v11 =	vld [tilespmem:s25+$0x4050];
	vm6 =	veq.s32 v9, v2  }
0x9a: {  	v3 =	vand.u32 $0xFFFF, v3;
	vm0 =	veq.s32 v10, v2;
	v9 =	vand.u32 $0xFFFF0000, v5;
	v10 =	vld [tilespmem:s25+$0x4060]  }
0x9b: {  	v5 =	vand.u32 $0xFFFF, v5;
	vm1 =	veq.s32 v9, v2;
	v9 =	vand.u32 $0xFFFF0000, v6;
	v12 =	vld [tilespmem:s25+$0x4070]  }
0x9c: {  	v6 =	vand.u32 $0xFFFF, v6;
	vm2 =	veq.s32 v9, v2;
	v9 =	vand.u32 $0xFFFF0000, v7;
	v13 =	vld [tilespmem:s25+$0x4400]  }
0x9d: {  	v7 =	vand.u32 $0xFFFF, v7;
	vm3 =	veq.s32 v9, v2;
	v9 =	vand.u32 $0xFFFF0000, v8;
	v14 =	vld [tilespmem:s25+$0x4410]  }
0x9e: {  	v8 =	vand.u32 $0xFFFF, v8;
	vm4 =	veq.s32 v9, v2;
	v9 =	vand.u32 $0xFFFF0000, v11;
	v15 =	vld [tilespmem:s25+$0x4420]  }
0x9f: {  	vm5 =	veq.s32 v9, v2;
	v9 =	vand.u32 $0xFFFF, v11;
	v11 =	vand.u32 $0xFFFF0000, v10;
	[tilespmem:v3+s15+$0x0] =	vst.idx.add.s32.msk vm6, v1  }
0xa0: {  	v10 =	vand.u32 $0xFFFF, v10;
	vm6 =	veq.s32 v11, v2;
	v3 =	vand.u32 $0xFFFF0000, v12;
	v11 =	vld [tilespmem:s25+$0x4430]  }
0xa1: {  	v12 =	vand.u32 $0xFFFF, v12;
	vm7 =	veq.s32 v3, v2;
	v3 =	vand.u32 $0xFFFF0000, v13;
	v16 =	vld [tilespmem:s25+$0x4440]  }
0xa2: {  	v13 =	vand.u32 $0xFFFF, v13;
	vm8 =	veq.s32 v3, v2;
	v3 =	vand.u32 $0xFFFF0000, v14;
	v17 =	vld [tilespmem:s25+$0x4450]  }
0xa3: {  	v14 =	vand.u32 $0xFFFF, v14;
	vm9 =	veq.s32 v3, v2;
	v3 =	vand.u32 $0xFFFF0000, v15;
	v18 =	vld [tilespmem:s25+$0x4460]  }
0xa4: {  	v15 =	vand.u32 $0xFFFF, v15;
	[tilespmem:v4+s15+$0x0] =	vst.idx.add.s32.msk vm0, v1;
	vm10 =	veq.s32 v3, v2  }
0xa5: {  	[tilespmem:v5+s15+$0x0] =	vst.idx.add.s32.msk vm1, v1;
	v3 =	vand.u32 $0xFFFF0000, v11;
	v11 =	vand.u32 $0xFFFF, v11  }
0xa6: {  	[tilespmem:v6+s15+$0x0] =	vst.idx.add.s32.msk vm2, v1;
	vm11 =	veq.s32 v3, v2;
	v4 =	vand.u32 $0xFFFF0000, v16;
	v3 =	vand.u32 $0xFFFF, v16  }
0xa7: {  	[tilespmem:v7+s15+$0x0] =	vst.idx.add.s32.msk vm3, v1;
	vm0 =	veq.s32 v4, v2;
	v5 =	vand.u32 $0xFFFF0000, v17;
	v4 =	vand.u32 $0xFFFF, v17  }
0xa8: {  	[tilespmem:v8+s15+$0x0] =	vst.idx.add.s32.msk vm4, v1;
	vm1 =	veq.s32 v5, v2;
	v6 =	vand.u32 $0xFFFF0000, v18;
	v5 =	vand.u32 $0xFFFF, v18  }
0xa9: {  	[tilespmem:v9+s15+$0x0] =	vst.idx.add.s32.msk vm5, v1;
	vm2 =	veq.s32 v6, v2  }
0xaa: {  	[tilespmem:v10+s15+$0x0] =	vst.idx.add.s32.msk vm6, v1  }
.Ltmp2:
0xab: {  	[tilespmem:v12+s15+$0x0] =	vst.idx.add.s32.msk vm7, v1;
	(pc) =	sbr.rel @p0 .LBB2_7-.Ltmp2, $4  }
0xac: {  	[tilespmem:v13+s15+$0x0] =	vst.idx.add.s32.msk vm8, v1  }
0xad: {  	[tilespmem:v14+s15+$0x0] =	vst.idx.add.s32.msk vm9, v1  }
0xae: {  	[tilespmem:v15+s15+$0x0] =	vst.idx.add.s32.msk vm10, v1  }
0xaf: {  	[tilespmem:v11+s15+$0x0] =	vst.idx.add.s32.msk vm11, v1  }
0xb0: {  	_ =	sdelay $0x1  }
0xb1: {  	s21 =	sadd.s32 $0x1, s21  }
0xb2: {  	p0 =	sne.s32 s21, $0x10  }
.Ltmp3:
0xb3: {  	s22 =	smin.u32 s22, $0x1C;
	(pc) =	sbr.rel @p0 .LBB2_4-.Ltmp3, $4  }
0xb4: {  	[tilespmem:v3+s15+$0x0] =	vst.idx.add.s32.msk vm0, v1;
	s22 =	sadd.s32 s22, s8  }
0xb5: {  	[tilespmem:v4+s15+$0x0] =	vst.idx.add.s32.msk vm1, v1;
	s22 =	sshll.u32 s22, $0xB  }
0xb6: {  	[tilespmem:v5+s15+$0x0] =	vst.idx.add.s32.msk vm2, v1;
	s22 =	sadd.s32 s1, s22  }
0xb7: {  	[tilespmem:s11], [sflag:$0x2] =	stream.linear.gather [hbm4b:s22+s3], $0x4000, $0x38;
	[tilespmem:$0x18080] =	vst v63  }
0xb8: {  	_ =	swait.ge [sflag:s14], $0x4000  }
0xb9: {  	[sflag:s14] =	ssyncset.done $0x0  }
0xba: {  	[sflag:s14] =	ssyncadd.s32 $0xFFFFC000  }
0xbb: {  	s19 =	sadd.s32 $0x1, s19;
	_ =	swait.ge [sflag:s16], $0x4000  }
0xbc: {  	p0 =	sne.s32 s19, s10;
	[sflag:s16] =	ssyncset.done $0x0  }
.Ltmp4:
0xbd: {  	[sflag:s16] =	ssyncadd.s32 $0xFFFFC000;
	(pc) =	sbr.rel @p0 .LBB2_1-.Ltmp4, $4  }
0xbe: {  	[hbm4b:s9+s17] =	stream.strided.scatter [tilespmem:s15], [sflag:$0x3], $0x10000, s18, s17, $0x38;
	[tilespmem:$0x18080] =	vst v63  }
0xbf: {  	_ =	swait.ge [sflag:s13], $0x10000  }
0xc0: {  	[sflag:s13] =	ssyncset.done $0x0  }
0xc1: {  	[sflag:s13] =	ssyncadd.s32 $0xFFFF0000  }
0xc2: {  	_ =	sfence.sel $0x180000  }
0xc3: {  	[bflag:$0x0] =	sbarrier.arrive $0xFFFF  }
0xc4: {  	p0 =	sne.s32 s2, $0x0;
	_ =	strace $0x9000004A  }
0xc5: {  	s0 =	sadd.s32 @!p0 $0x100000, s0;
	[bflag:$0x2] =	sbarrier.arrive $0xFFFF  }
0xc6: {  	[sflag:s0] =	ssyncadd.tile.s32 @!p0 $0x1;
	_ =	shalt  }
.Lfunc_end2:
_tile_overlayer_lowered:
.L_overlay_start_2:
0xc7: {  	(tag) =	ssettag $0x2  }
0xc8: {  	s0 =	rddreg [dreg:$0x0];
	s2 =	stileid.u32  }
0xc9: {  	s1 =	rddreg [dreg:$0x1];
	p0 =	sne.s32 s2, $0x0  }
0xca: {  	s3 =	rddreg [dreg:$0x2];
	[bflag:$0x3] =	sbarrier.arrive $0xFFFF;
	s2 =	simm.s32 @!p0 $0x1C03  }
0xcb: {  	[timem:s3], [sflag:s2] =	dma.local @!p0 [hbm:s0], s1  }
0xcc: {  	s0 =	simm.s32 @!p0 $0x3  }
0xcd: {  	_ =	swait.ge @!p0 [sflag:s0], s1  }
0xce: {  	s1 =	ssub.s32 @!p0 $0x0, s1;
	[sflag:s0] =	ssyncset.done @!p0 $0x0  }
0xcf: {  	[sflag:s0] =	ssyncadd.s32 @!p0 s1  }
0xd0: {  	[bflag:$0x3] =	sbarrier.arrive $0xFFFF  }
0xd1: {  	_ =	shalt  }

</sc_bundles>
